<compile_context>
chip_gen: v7x
topology: tpu7x:2x2x1
jax: 0.10.2.dev20260603
libtpu: 0.0.44.dev20260713+nightly
codegen_flags: <defaults>
</compile_context>

<pallas_src>
import functools

import jax
import jax.numpy as jnp
from jax.experimental import pallas as pl
from jax.experimental.pallas import tpu as pltpu
from jax.experimental.pallas import tpu_sc as plsc

MAX_LEN = 512
CHUNK_J = 256


def kernel(q, k, rel_pos_enc):
    seq_len_q = q.shape[1]
    seq_len_k = k.shape[1]
    d = rel_pos_enc.shape[1]

    info = plsc.get_sparse_core_info()
    nc, ns = info.num_cores, info.num_subcores
    nw = nc * ns
    rows_per_w = seq_len_q // nw
    n_half = seq_len_k // CHUNK_J
    win_rows = CHUNK_J + rows_per_w - 1

    mesh = plsc.VectorSubcoreMesh(core_axis_name="c", subcore_axis_name="s")

    @functools.partial(
        pl.kernel,
        mesh=mesh,
        out_type=jax.ShapeDtypeStruct((seq_len_q, seq_len_k, d), rel_pos_enc.dtype),
        compiler_params=pltpu.CompilerParams(use_tc_tiling_on_sc=False),
        scratch_types=[
            pltpu.VMEM((win_rows, d), jnp.float32),
            pltpu.SemaphoreType.DMA,
        ],
    )
    def run(table_hbm, out_hbm, win, sem_out):
        wid = jax.lax.axis_index("s") * nc + jax.lax.axis_index("c")
        base = wid * rows_per_w

        for h in range(n_half):
            w0 = CHUNK_J * h + (MAX_LEN - 1) - (rows_per_w - 1) - base
            pltpu.sync_copy(table_hbm.at[pl.ds(w0, win_rows), :], win)

            def mk(r):
                return pltpu.make_async_copy(
                    win.at[pl.ds(rows_per_w - 1 - r, CHUNK_J), :],
                    out_hbm.at[base + r, pl.ds(CHUNK_J * h, CHUNK_J), :],
                    sem_out,
                )

            for r in range(rows_per_w):
                mk(r).start()
            for r in range(rows_per_w):
                mk(r).wait()

    return run(rel_pos_enc)

# --- scband reference (transcript-rebuilt; emitter-appended) ---
"""Pipeline reference for scband-relative-positional-encoding-5274219840120 (READ-ONLY COPY).

The authoritative reference and input builder live on the scoring server;
editing this copy changes nothing except your own understanding.
"""

import jax, jax.numpy as jnp
import numpy as np

D_MODEL = 256
MAX_LEN = 512

def setup_inputs(seed: int = 0) -> dict:
    key = jax.random.key(seed)
    k1, k2, k3 = jax.random.split(key, 3)
    q = jax.random.normal(k1, (2, 512, D_MODEL), dtype=jnp.float32)
    k = jax.random.normal(k2, (2, 512, D_MODEL), dtype=jnp.float32)
    # nn.Embedding default init: N(0, 1)
    rel_pos_enc = jax.random.normal(k3, (2 * MAX_LEN - 1, D_MODEL), dtype=jnp.float32)
    return {"q": q, "k": k, "rel_pos_enc": rel_pos_enc}

def reference(q, k, rel_pos_enc):
    seq_len_q = q.shape[1]
    seq_len_k = k.shape[1]
    range_vec_q = jnp.arange(seq_len_q)
    range_vec_k = jnp.arange(seq_len_k)
    distance_mat = range_vec_k[None, :] - range_vec_q[:, None]
    distance_mat_clipped = jnp.clip(distance_mat, -MAX_LEN + 1, MAX_LEN - 1)
    final_mat = distance_mat_clipped + (MAX_LEN - 1)
    positional_encodings = jnp.take(rel_pos_enc, final_mat, axis=0)
    return positional_encodings

if __name__ == "__main__":
    import jax
    _d = setup_inputs()
    print(jax.jit(kernel)(*tuple(_d.values())))

</pallas_src>

<mosaic_0001>
#map = affine_map<(d0, d1) -> (0, 0)>
#map1 = affine_map<(d0, d1) -> (0, 0, 0)>
module attributes {stable_mosaic.version = 14 : i64} {
  func.func @run(%arg0: i32, %arg1: i32, %arg2: memref<1023x256xf32, #tpu.memory_space<hbm>>, %arg3: memref<512x512x256xf32, #tpu.memory_space<hbm>>, %arg4: memref<271x256xf32, #tpu.memory_space<vmem>>, %arg5: memref<!tpu.dma_semaphore, #tpu.memory_space<semaphore_mem>>) attributes {dimension_semantics = [#tpu.dimension_semantics<core_parallel>, #tpu.dimension_semantics<subcore_parallel>], iteration_bounds = array<i64: 2, 16>, scalar_prefetch = 0 : i64, scratch_operands = 2 : i64, tpu.core_type = #tpu.core_type<sc_vector_subcore>, window_params = [{transform_indices = #map}, {transform_indices = #map1}]} {
    %mul3A = arith.constant 2 : i32
    %mul3A_0 = arith.muli %arg1, %mul3A : i32
    %add3A = arith.addi %mul3A_0, %arg0 : i32
    %mul3A_1 = arith.constant 16 : i32
    %mul3A_2 = arith.muli %add3A, %mul3A_1 : i32
    %sub3A = arith.constant 496 : i32
    %sub3A_3 = arith.subi %sub3A, %mul3A_2 : i32
    "tpu.region"() ({
      %run_scoped3A = tpu.sem_alloc : memref<!tpu.dma_semaphore, #tpu.memory_space<semaphore_mem>>
      %dma_start3A_1028 = arith.constant 0 : i32
      %dma_start3A_1029 = tpu.memref_slice %arg2[%sub3A_3, %dma_start3A_1028] : memref<1023x256xf32, #tpu.memory_space<hbm>> -> memref<271x256xf32, #tpu.memory_space<hbm>>
      %dma_start3A_1030 = arith.constant 0 : i32
      %dma_start3A_1031 = tpu.memref_slice %arg2[%sub3A_3, %dma_start3A_1030] : memref<1023x256xf32, #tpu.memory_space<hbm>> -> memref<271x256xf32, #tpu.memory_space<hbm>>
      tpu.enqueue_dma source(%dma_start3A_1031 : memref<271x256xf32, #tpu.memory_space<hbm>>) target(%arg4 : memref<271x256xf32, #tpu.memory_space<vmem>>) target_semaphore(%run_scoped3A : memref<!tpu.dma_semaphore, #tpu.memory_space<semaphore_mem>>)
      %dma_wait3A_1032 = arith.constant 0 : i32
      %dma_wait3A_1033 = tpu.memref_slice %arg2[%sub3A_3, %dma_wait3A_1032] : memref<1023x256xf32, #tpu.memory_space<hbm>> -> memref<271x256xf32, #tpu.memory_space<hbm>>
      %dma_wait3A_1034 = arith.constant 0 : i32
      %dma_wait3A_1035 = tpu.memref_slice %arg2[%sub3A_3, %dma_wait3A_1034] : memref<1023x256xf32, #tpu.memory_space<hbm>> -> memref<271x256xf32, #tpu.memory_space<hbm>>
      tpu.wait_dma2 semaphore(%run_scoped3A : memref<!tpu.dma_semaphore, #tpu.memory_space<semaphore_mem>>) src(%dma_wait3A_1035 : memref<271x256xf32, #tpu.memory_space<hbm>>) dst(%arg4 : memref<271x256xf32, #tpu.memory_space<vmem>>)
      tpu.yield
    }) : () -> ()
    %add3A_4 = arith.constant 0 : i32
    %add3A_5 = arith.addi %mul3A_2, %add3A_4 : i32
    %dma_start3A = arith.constant 15 : i32
    %dma_start3A_6 = arith.constant 0 : i32
    %dma_start3A_7 = tpu.memref_slice %arg4[%dma_start3A, %dma_start3A_6] : memref<271x256xf32, #tpu.memory_space<vmem>> -> memref<256x256xf32, #tpu.memory_space<vmem>>
    %dma_start3A_8 = arith.constant 0 : i32
    %dma_start3A_9 = arith.constant 0 : i32
    %dma_start3A_10 = tpu.memref_slice %arg3[%add3A_5, %dma_start3A_8, %dma_start3A_9] : memref<512x512x256xf32, #tpu.memory_space<hbm>> -> memref<1x256x256xf32, #tpu.memory_space<hbm>>
    %dma_start3A_11 = tpu.memref_squeeze %dma_start3A_10 : memref<1x256x256xf32, #tpu.memory_space<hbm>> -> memref<256x256xf32, #tpu.memory_space<hbm>>
    %dma_start3A_12 = arith.constant 0 : i32
    %dma_start3A_13 = arith.constant 0 : i32
    %dma_start3A_14 = tpu.memref_slice %arg3[%add3A_5, %dma_start3A_12, %dma_start3A_13] : memref<512x512x256xf32, #tpu.memory_space<hbm>> -> memref<1x256x256xf32, #tpu.memory_space<hbm>>
    %dma_start3A_15 = tpu.memref_squeeze %dma_start3A_14 : memref<1x256x256xf32, #tpu.memory_space<hbm>> -> memref<256x256xf32, #tpu.memory_space<hbm>>
    %dma_start3A_16 = arith.constant 15 : i32
    %dma_start3A_17 = arith.constant 0 : i32
    %dma_start3A_18 = tpu.memref_slice %arg4[%dma_start3A_16, %dma_start3A_17] : memref<271x256xf32, #tpu.memory_space<vmem>> -> memref<256x256xf32, #tpu.memory_space<vmem>>
    tpu.enqueue_dma source(%dma_start3A_18 : memref<256x256xf32, #tpu.memory_space<vmem>>) target(%dma_start3A_15 : memref<256x256xf32, #tpu.memory_space<hbm>>) target_semaphore(%arg5 : memref<!tpu.dma_semaphore, #tpu.memory_space<semaphore_mem>>)
    %add3A_19 = arith.constant 1 : i32
    %add3A_20 = arith.addi %mul3A_2, %add3A_19 : i32
    %dma_start3A_21 = arith.constant 14 : i32
    %dma_start3A_22 = arith.constant 0 : i32
    %dma_start3A_23 = tpu.memref_slice %arg4[%dma_start3A_21, %dma_start3A_22] : memref<271x256xf32, #tpu.memory_space<vmem>> -> memref<256x256xf32, #tpu.memory_space<vmem>>
    %dma_start3A_24 = arith.constant 0 : i32
    %dma_start3A_25 = arith.constant 0 : i32
    %dma_start3A_26 = tpu.memref_slice %arg3[%add3A_20, %dma_start3A_24, %dma_start3A_25] : memref<512x512x256xf32, #tpu.memory_space<hbm>> -> memref<1x256x256xf32, #tpu.memory_space<hbm>>
    %dma_start3A_27 = tpu.memref_squeeze %dma_start3A_26 : memref<1x256x256xf32, #tpu.memory_space<hbm>> -> memref<256x256xf32, #tpu.memory_space<hbm>>
    %dma_start3A_28 = arith.constant 0 : i32
    %dma_start3A_29 = arith.constant 0 : i32
    %dma_start3A_30 = tpu.memref_slice %arg3[%add3A_20, %dma_start3A_28, %dma_start3A_29] : memref<512x512x256xf32, #tpu.memory_space<hbm>> -> memref<1x256x256xf32, #tpu.memory_space<hbm>>
    %dma_start3A_31 = tpu.memref_squeeze %dma_start3A_30 : memref<1x256x256xf32, #tpu.memory_space<hbm>> -> memref<256x256xf32, #tpu.memory_space<hbm>>
    %dma_start3A_32 = arith.constant 14 : i32
    %dma_start3A_33 = arith.constant 0 : i32
    %dma_start3A_34 = tpu.memref_slice %arg4[%dma_start3A_32, %dma_start3A_33] : memref<271x256xf32, #tpu.memory_space<vmem>> -> memref<256x256xf32, #tpu.memory_space<vmem>>
    tpu.enqueue_dma source(%dma_start3A_34 : memref<256x256xf32, #tpu.memory_space<vmem>>) target(%dma_start3A_31 : memref<256x256xf32, #tpu.memory_space<hbm>>) target_semaphore(%arg5 : memref<!tpu.dma_semaphore, #tpu.memory_space<semaphore_mem>>)
    %add3A_35 = arith.constant 2 : i32
    %add3A_36 = arith.addi %mul3A_2, %add3A_35 : i32
    %dma_start3A_37 = arith.constant 13 : i32
    %dma_start3A_38 = arith.constant 0 : i32
    %dma_start3A_39 = tpu.memref_slice %arg4[%dma_start3A_37, %dma_start3A_38] : memref<271x256xf32, #tpu.memory_space<vmem>> -> memref<256x256xf32, #tpu.memory_space<vmem>>
    %dma_start3A_40 = arith.constant 0 : i32
    %dma_start3A_41 = arith.constant 0 : i32
    %dma_start3A_42 = tpu.memref_slice %arg3[%add3A_36, %dma_start3A_40, %dma_start3A_41] : memref<512x512x256xf32, #tpu.memory_space<hbm>> -> memref<1x256x256xf32, #tpu.memory_space<hbm>>
    %dma_start3A_43 = tpu.memref_squeeze %dma_start3A_42 : memref<1x256x256xf32, #tpu.memory_space<hbm>> -> memref<256x256xf32, #tpu.memory_space<hbm>>
    %dma_start3A_44 = arith.constant 0 : i32
    %dma_start3A_45 = arith.constant 0 : i32
    %dma_start3A_46 = tpu.memref_slice %arg3[%add3A_36, %dma_start3A_44, %dma_start3A_45] : memref<512x512x256xf32, #tpu.memory_space<hbm>> -> memref<1x256x256xf32, #tpu.memory_space<hbm>>
    %dma_start3A_47 = tpu.memref_squeeze %dma_start3A_46 : memref<1x256x256xf32, #tpu.memory_space<hbm>> -> memref<256x256xf32, #tpu.memory_space<hbm>>
    %dma_start3A_48 = arith.constant 13 : i32
    %dma_start3A_49 = arith.constant 0 : i32
    %dma_start3A_50 = tpu.memref_slice %arg4[%dma_start3A_48, %dma_start3A_49] : memref<271x256xf32, #tpu.memory_space<vmem>> -> memref<256x256xf32, #tpu.memory_space<vmem>>
    tpu.enqueue_dma source(%dma_start3A_50 : memref<256x256xf32, #tpu.memory_space<vmem>>) target(%dma_start3A_47 : memref<256x256xf32, #tpu.memory_space<hbm>>) target_semaphore(%arg5 : memref<!tpu.dma_semaphore, #tpu.memory_space<semaphore_mem>>)
    %add3A_51 = arith.constant 3 : i32
    %add3A_52 = arith.addi %mul3A_2, %add3A_51 : i32
    %dma_start3A_53 = arith.constant 12 : i32
    %dma_start3A_54 = arith.constant 0 : i32
    %dma_start3A_55 = tpu.memref_slice %arg4[%dma_start3A_53, %dma_start3A_54] : memref<271x256xf32, #tpu.memory_space<vmem>> -> memref<256x256xf32, #tpu.memory_space<vmem>>
    %dma_start3A_56 = arith.constant 0 : i32
    %dma_start3A_57 = arith.constant 0 : i32
    %dma_start3A_58 = tpu.memref_slice %arg3[%add3A_52, %dma_start3A_56, %dma_start3A_57] : memref<512x512x256xf32, #tpu.memory_space<hbm>> -> memref<1x256x256xf32, #tpu.memory_space<hbm>>
    %dma_start3A_59 = tpu.memref_squeeze %dma_start3A_58 : memref<1x256x256xf32, #tpu.memory_space<hbm>> -> memref<256x256xf32, #tpu.memory_space<hbm>>
    %dma_start3A_60 = arith.constant 0 : i32
    %dma_start3A_61 = arith.constant 0 : i32
    %dma_start3A_62 = tpu.memref_slice %arg3[%add3A_52, %dma_start3A_60, %dma_start3A_61] : memref<512x512x256xf32, #tpu.memory_space<hbm>> -> memref<1x256x256xf32, #tpu.memory_space<hbm>>
    %dma_start3A_63 = tpu.memref_squeeze %dma_start3A_62 : memref<1x256x256xf32, #tpu.memory_space<hbm>> -> memref<256x256xf32, #tpu.memory_space<hbm>>
    %dma_start3A_64 = arith.constant 12 : i32
    %dma_start3A_65 = arith.constant 0 : i32
    %dma_start3A_66 = tpu.memref_slice %arg4[%dma_start3A_64, %dma_start3A_65] : memref<271x256xf32, #tpu.memory_space<vmem>> -> memref<256x256xf32, #tpu.memory_space<vmem>>
    tpu.enqueue_dma source(%dma_start3A_66 : memref<256x256xf32, #tpu.memory_space<vmem>>) target(%dma_start3A_63 : memref<256x256xf32, #tpu.memory_space<hbm>>) target_semaphore(%arg5 : memref<!tpu.dma_semaphore, #tpu.memory_space<semaphore_mem>>)
    %add3A_67 = arith.constant 4 : i32
    %add3A_68 = arith.addi %mul3A_2, %add3A_67 : i32
    %dma_start3A_69 = arith.constant 11 : i32
    %dma_start3A_70 = arith.constant 0 : i32
    %dma_start3A_71 = tpu.memref_slice %arg4[%dma_start3A_69, %dma_start3A_70] : memref<271x256xf32, #tpu.memory_space<vmem>> -> memref<256x256xf32, #tpu.memory_space<vmem>>
    %dma_start3A_72 = arith.constant 0 : i32
    %dma_start3A_73 = arith.constant 0 : i32
    %dma_start3A_74 = tpu.memref_slice %arg3[%add3A_68, %dma_start3A_72, %dma_start3A_73] : memref<512x512x256xf32, #tpu.memory_space<hbm>> -> memref<1x256x256xf32, #tpu.memory_space<hbm>>
    %dma_start3A_75 = tpu.memref_squeeze %dma_start3A_74 : memref<1x256x256xf32, #tpu.memory_space<hbm>> -> memref<256x256xf32, #tpu.memory_space<hbm>>
    %dma_start3A_76 = arith.constant 0 : i32
    %dma_start3A_77 = arith.constant 0 : i32
    %dma_start3A_78 = tpu.memref_slice %arg3[%add3A_68, %dma_start3A_76, %dma_start3A_77] : memref<512x512x256xf32, #tpu.memory_space<hbm>> -> memref<1x256x256xf32, #tpu.memory_space<hbm>>
    %dma_start3A_79 = tpu.memref_squeeze %dma_start3A_78 : memref<1x256x256xf32, #tpu.memory_space<hbm>> -> memref<256x256xf32, #tpu.memory_space<hbm>>
    %dma_start3A_80 = arith.constant 11 : i32
    %dma_start3A_81 = arith.constant 0 : i32
    %dma_start3A_82 = tpu.memref_slice %arg4[%dma_start3A_80, %dma_start3A_81] : memref<271x256xf32, #tpu.memory_space<vmem>> -> memref<256x256xf32, #tpu.memory_space<vmem>>
    tpu.enqueue_dma source(%dma_start3A_82 : memref<256x256xf32, #tpu.memory_space<vmem>>) target(%dma_start3A_79 : memref<256x256xf32, #tpu.memory_space<hbm>>) target_semaphore(%arg5 : memref<!tpu.dma_semaphore, #tpu.memory_space<semaphore_mem>>)
    %add3A_83 = arith.constant 5 : i32
    %add3A_84 = arith.addi %mul3A_2, %add3A_83 : i32
    %dma_start3A_85 = arith.constant 10 : i32
    %dma_start3A_86 = arith.constant 0 : i32
    %dma_start3A_87 = tpu.memref_slice %arg4[%dma_start3A_85, %dma_start3A_86] : memref<271x256xf32, #tpu.memory_space<vmem>> -> memref<256x256xf32, #tpu.memory_space<vmem>>
    %dma_start3A_88 = arith.constant 0 : i32
    %dma_start3A_89 = arith.constant 0 : i32
    %dma_start3A_90 = tpu.memref_slice %arg3[%add3A_84, %dma_start3A_88, %dma_start3A_89] : memref<512x512x256xf32, #tpu.memory_space<hbm>> -> memref<1x256x256xf32, #tpu.memory_space<hbm>>
    %dma_start3A_91 = tpu.memref_squeeze %dma_start3A_90 : memref<1x256x256xf32, #tpu.memory_space<hbm>> -> memref<256x256xf32, #tpu.memory_space<hbm>>
    %dma_start3A_92 = arith.constant 0 : i32
    %dma_start3A_93 = arith.constant 0 : i32
    %dma_start3A_94 = tpu.memref_slice %arg3[%add3A_84, %dma_start3A_92, %dma_start3A_93] : memref<512x512x256xf32, #tpu.memory_space<hbm>> -> memref<1x256x256xf32, #tpu.memory_space<hbm>>
    %dma_start3A_95 = tpu.memref_squeeze %dma_start3A_94 : memref<1x256x256xf32, #tpu.memory_space<hbm>> -> memref<256x256xf32, #tpu.memory_space<hbm>>
    %dma_start3A_96 = arith.constant 10 : i32
    %dma_start3A_97 = arith.constant 0 : i32
    %dma_start3A_98 = tpu.memref_slice %arg4[%dma_start3A_96, %dma_start3A_97] : memref<271x256xf32, #tpu.memory_space<vmem>> -> memref<256x256xf32, #tpu.memory_space<vmem>>
    tpu.enqueue_dma source(%dma_start3A_98 : memref<256x256xf32, #tpu.memory_space<vmem>>) target(%dma_start3A_95 : memref<256x256xf32, #tpu.memory_space<hbm>>) target_semaphore(%arg5 : memref<!tpu.dma_semaphore, #tpu.memory_space<semaphore_mem>>)
    %add3A_99 = arith.constant 6 : i32
    %add3A_100 = arith.addi %mul3A_2, %add3A_99 : i32
    %dma_start3A_101 = arith.constant 9 : i32
    %dma_start3A_102 = arith.constant 0 : i32
    %dma_start3A_103 = tpu.memref_slice %arg4[%dma_start3A_101, %dma_start3A_102] : memref<271x256xf32, #tpu.memory_space<vmem>> -> memref<256x256xf32, #tpu.memory_space<vmem>>
    %dma_start3A_104 = arith.constant 0 : i32
    %dma_start3A_105 = arith.constant 0 : i32
    %dma_start3A_106 = tpu.memref_slice %arg3[%add3A_100, %dma_start3A_104, %dma_start3A_105] : memref<512x512x256xf32, #tpu.memory_space<hbm>> -> memref<1x256x256xf32, #tpu.memory_space<hbm>>
    %dma_start3A_107 = tpu.memref_squeeze %dma_start3A_106 : memref<1x256x256xf32, #tpu.memory_space<hbm>> -> memref<256x256xf32, #tpu.memory_space<hbm>>
    %dma_start3A_108 = arith.constant 0 : i32
    %dma_start3A_109 = arith.constant 0 : i32
    %dma_start3A_110 = tpu.memref_slice %arg3[%add3A_100, %dma_start3A_108, %dma_start3A_109] : memref<512x512x256xf32, #tpu.memory_space<hbm>> -> memref<1x256x256xf32, #tpu.memory_space<hbm>>
    %dma_start3A_111 = tpu.memref_squeeze %dma_start3A_110 : memref<1x256x256xf32, #tpu.memory_space<hbm>> -> memref<256x256xf32, #tpu.memory_space<hbm>>
    %dma_start3A_112 = arith.constant 9 : i32
    %dma_start3A_113 = arith.constant 0 : i32
    %dma_start3A_114 = tpu.memref_slice %arg4[%dma_start3A_112, %dma_start3A_113] : memref<271x256xf32, #tpu.memory_space<vmem>> -> memref<256x256xf32, #tpu.memory_space<vmem>>
    tpu.enqueue_dma source(%dma_start3A_114 : memref<256x256xf32, #tpu.memory_space<vmem>>) target(%dma_start3A_111 : memref<256x256xf32, #tpu.memory_space<hbm>>) target_semaphore(%arg5 : memref<!tpu.dma_semaphore, #tpu.memory_space<semaphore_mem>>)
    %add3A_115 = arith.constant 7 : i32
    %add3A_116 = arith.addi %mul3A_2, %add3A_115 : i32
    %dma_start3A_117 = arith.constant 8 : i32
    %dma_start3A_118 = arith.constant 0 : i32
    %dma_start3A_119 = tpu.memref_slice %arg4[%dma_start3A_117, %dma_start3A_118] : memref<271x256xf32, #tpu.memory_space<vmem>> -> memref<256x256xf32, #tpu.memory_space<vmem>>
    %dma_start3A_120 = arith.constant 0 : i32
    %dma_start3A_121 = arith.constant 0 : i32
    %dma_start3A_122 = tpu.memref_slice %arg3[%add3A_116, %dma_start3A_120, %dma_start3A_121] : memref<512x512x256xf32, #tpu.memory_space<hbm>> -> memref<1x256x256xf32, #tpu.memory_space<hbm>>
    %dma_start3A_123 = tpu.memref_squeeze %dma_start3A_122 : memref<1x256x256xf32, #tpu.memory_space<hbm>> -> memref<256x256xf32, #tpu.memory_space<hbm>>
    %dma_start3A_124 = arith.constant 0 : i32
    %dma_start3A_125 = arith.constant 0 : i32
    %dma_start3A_126 = tpu.memref_slice %arg3[%add3A_116, %dma_start3A_124, %dma_start3A_125] : memref<512x512x256xf32, #tpu.memory_space<hbm>> -> memref<1x256x256xf32, #tpu.memory_space<hbm>>
    %dma_start3A_127 = tpu.memref_squeeze %dma_start3A_126 : memref<1x256x256xf32, #tpu.memory_space<hbm>> -> memref<256x256xf32, #tpu.memory_space<hbm>>
    %dma_start3A_128 = arith.constant 8 : i32
    %dma_start3A_129 = arith.constant 0 : i32
    %dma_start3A_130 = tpu.memref_slice %arg4[%dma_start3A_128, %dma_start3A_129] : memref<271x256xf32, #tpu.memory_space<vmem>> -> memref<256x256xf32, #tpu.memory_space<vmem>>
    tpu.enqueue_dma source(%dma_start3A_130 : memref<256x256xf32, #tpu.memory_space<vmem>>) target(%dma_start3A_127 : memref<256x256xf32, #tpu.memory_space<hbm>>) target_semaphore(%arg5 : memref<!tpu.dma_semaphore, #tpu.memory_space<semaphore_mem>>)
    %add3A_131 = arith.constant 8 : i32
    %add3A_132 = arith.addi %mul3A_2, %add3A_131 : i32
    %dma_start3A_133 = arith.constant 7 : i32
    %dma_start3A_134 = arith.constant 0 : i32
    %dma_start3A_135 = tpu.memref_slice %arg4[%dma_start3A_133, %dma_start3A_134] : memref<271x256xf32, #tpu.memory_space<vmem>> -> memref<256x256xf32, #tpu.memory_space<vmem>>
    %dma_start3A_136 = arith.constant 0 : i32
    %dma_start3A_137 = arith.constant 0 : i32
    %dma_start3A_138 = tpu.memref_slice %arg3[%add3A_132, %dma_start3A_136, %dma_start3A_137] : memref<512x512x256xf32, #tpu.memory_space<hbm>> -> memref<1x256x256xf32, #tpu.memory_space<hbm>>
    %dma_start3A_139 = tpu.memref_squeeze %dma_start3A_138 : memref<1x256x256xf32, #tpu.memory_space<hbm>> -> memref<256x256xf32, #tpu.memory_space<hbm>>
    %dma_start3A_140 = arith.constant 0 : i32
    %dma_start3A_141 = arith.constant 0 : i32
    %dma_start3A_142 = tpu.memref_slice %arg3[%add3A_132, %dma_start3A_140, %dma_start3A_141] : memref<512x512x256xf32, #tpu.memory_space<hbm>> -> memref<1x256x256xf32, #tpu.memory_space<hbm>>
    %dma_start3A_143 = tpu.memref_squeeze %dma_start3A_142 : memref<1x256x256xf32, #tpu.memory_space<hbm>> -> memref<256x256xf32, #tpu.memory_space<hbm>>
    %dma_start3A_144 = arith.constant 7 : i32
    %dma_start3A_145 = arith.constant 0 : i32
    %dma_start3A_146 = tpu.memref_slice %arg4[%dma_start3A_144, %dma_start3A_145] : memref<271x256xf32, #tpu.memory_space<vmem>> -> memref<256x256xf32, #tpu.memory_space<vmem>>
    tpu.enqueue_dma source(%dma_start3A_146 : memref<256x256xf32, #tpu.memory_space<vmem>>) target(%dma_start3A_143 : memref<256x256xf32, #tpu.memory_space<hbm>>) target_semaphore(%arg5 : memref<!tpu.dma_semaphore, #tpu.memory_space<semaphore_mem>>)
    %add3A_147 = arith.constant 9 : i32
    %add3A_148 = arith.addi %mul3A_2, %add3A_147 : i32
    %dma_start3A_149 = arith.constant 6 : i32
    %dma_start3A_150 = arith.constant 0 : i32
    %dma_start3A_151 = tpu.memref_slice %arg4[%dma_start3A_149, %dma_start3A_150] : memref<271x256xf32, #tpu.memory_space<vmem>> -> memref<256x256xf32, #tpu.memory_space<vmem>>
    %dma_start3A_152 = arith.constant 0 : i32
    %dma_start3A_153 = arith.constant 0 : i32
    %dma_start3A_154 = tpu.memref_slice %arg3[%add3A_148, %dma_start3A_152, %dma_start3A_153] : memref<512x512x256xf32, #tpu.memory_space<hbm>> -> memref<1x256x256xf32, #tpu.memory_space<hbm>>
    %dma_start3A_155 = tpu.memref_squeeze %dma_start3A_154 : memref<1x256x256xf32, #tpu.memory_space<hbm>> -> memref<256x256xf32, #tpu.memory_space<hbm>>
    %dma_start3A_156 = arith.constant 0 : i32
    %dma_start3A_157 = arith.constant 0 : i32
    %dma_start3A_158 = tpu.memref_slice %arg3[%add3A_148, %dma_start3A_156, %dma_start3A_157] : memref<512x512x256xf32, #tpu.memory_space<hbm>> -> memref<1x256x256xf32, #tpu.memory_space<hbm>>
    %dma_start3A_159 = tpu.memref_squeeze %dma_start3A_158 : memref<1x256x256xf32, #tpu.memory_space<hbm>> -> memref<256x256xf32, #tpu.memory_space<hbm>>
    %dma_start3A_160 = arith.constant 6 : i32
    %dma_start3A_161 = arith.constant 0 : i32
    %dma_start3A_162 = tpu.memref_slice %arg4[%dma_start3A_160, %dma_start3A_161] : memref<271x256xf32, #tpu.memory_space<vmem>> -> memref<256x256xf32, #tpu.memory_space<vmem>>
    tpu.enqueue_dma source(%dma_start3A_162 : memref<256x256xf32, #tpu.memory_space<vmem>>) target(%dma_start3A_159 : memref<256x256xf32, #tpu.memory_space<hbm>>) target_semaphore(%arg5 : memref<!tpu.dma_semaphore, #tpu.memory_space<semaphore_mem>>)
    %add3A_163 = arith.constant 10 : i32
    %add3A_164 = arith.addi %mul3A_2, %add3A_163 : i32
    %dma_start3A_165 = arith.constant 5 : i32
    %dma_start3A_166 = arith.constant 0 : i32
    %dma_start3A_167 = tpu.memref_slice %arg4[%dma_start3A_165, %dma_start3A_166] : memref<271x256xf32, #tpu.memory_space<vmem>> -> memref<256x256xf32, #tpu.memory_space<vmem>>
    %dma_start3A_168 = arith.constant 0 : i32
    %dma_start3A_169 = arith.constant 0 : i32
    %dma_start3A_170 = tpu.memref_slice %arg3[%add3A_164, %dma_start3A_168, %dma_start3A_169] : memref<512x512x256xf32, #tpu.memory_space<hbm>> -> memref<1x256x256xf32, #tpu.memory_space<hbm>>
    %dma_start3A_171 = tpu.memref_squeeze %dma_start3A_170 : memref<1x256x256xf32, #tpu.memory_space<hbm>> -> memref<256x256xf32, #tpu.memory_space<hbm>>
    %dma_start3A_172 = arith.constant 0 : i32
    %dma_start3A_173 = arith.constant 0 : i32
    %dma_start3A_174 = tpu.memref_slice %arg3[%add3A_164, %dma_start3A_172, %dma_start3A_173] : memref<512x512x256xf32, #tpu.memory_space<hbm>> -> memref<1x256x256xf32, #tpu.memory_space<hbm>>
    %dma_start3A_175 = tpu.memref_squeeze %dma_start3A_174 : memref<1x256x256xf32, #tpu.memory_space<hbm>> -> memref<256x256xf32, #tpu.memory_space<hbm>>
    %dma_start3A_176 = arith.constant 5 : i32
    %dma_start3A_177 = arith.constant 0 : i32
    %dma_start3A_178 = tpu.memref_slice %arg4[%dma_start3A_176, %dma_start3A_177] : memref<271x256xf32, #tpu.memory_space<vmem>> -> memref<256x256xf32, #tpu.memory_space<vmem>>
    tpu.enqueue_dma source(%dma_start3A_178 : memref<256x256xf32, #tpu.memory_space<vmem>>) target(%dma_start3A_175 : memref<256x256xf32, #tpu.memory_space<hbm>>) target_semaphore(%arg5 : memref<!tpu.dma_semaphore, #tpu.memory_space<semaphore_mem>>)
    %add3A_179 = arith.constant 11 : i32
    %add3A_180 = arith.addi %mul3A_2, %add3A_179 : i32
    %dma_start3A_181 = arith.constant 4 : i32
    %dma_start3A_182 = arith.constant 0 : i32
    %dma_start3A_183 = tpu.memref_slice %arg4[%dma_start3A_181, %dma_start3A_182] : memref<271x256xf32, #tpu.memory_space<vmem>> -> memref<256x256xf32, #tpu.memory_space<vmem>>
    %dma_start3A_184 = arith.constant 0 : i32
    %dma_start3A_185 = arith.constant 0 : i32
    %dma_start3A_186 = tpu.memref_slice %arg3[%add3A_180, %dma_start3A_184, %dma_start3A_185] : memref<512x512x256xf32, #tpu.memory_space<hbm>> -> memref<1x256x256xf32, #tpu.memory_space<hbm>>
    %dma_start3A_187 = tpu.memref_squeeze %dma_start3A_186 : memref<1x256x256xf32, #tpu.memory_space<hbm>> -> memref<256x256xf32, #tpu.memory_space<hbm>>
    %dma_start3A_188 = arith.constant 0 : i32
    %dma_start3A_189 = arith.constant 0 : i32
    %dma_start3A_190 = tpu.memref_slice %arg3[%add3A_180, %dma_start3A_188, %dma_start3A_189] : memref<512x512x256xf32, #tpu.memory_space<hbm>> -> memref<1x256x256xf32, #tpu.memory_space<hbm>>
    %dma_start3A_191 = tpu.memref_squeeze %dma_start3A_190 : memref<1x256x256xf32, #tpu.memory_space<hbm>> -> memref<256x256xf32, #tpu.memory_space<hbm>>
    %dma_start3A_192 = arith.constant 4 : i32
    %dma_start3A_193 = arith.constant 0 : i32
    %dma_start3A_194 = tpu.memref_slice %arg4[%dma_start3A_192, %dma_start3A_193] : memref<271x256xf32, #tpu.memory_space<vmem>> -> memref<256x256xf32, #tpu.memory_space<vmem>>
    tpu.enqueue_dma source(%dma_start3A_194 : memref<256x256xf32, #tpu.memory_space<vmem>>) target(%dma_start3A_191 : memref<256x256xf32, #tpu.memory_space<hbm>>) target_semaphore(%arg5 : memref<!tpu.dma_semaphore, #tpu.memory_space<semaphore_mem>>)
    %add3A_195 = arith.constant 12 : i32
    %add3A_196 = arith.addi %mul3A_2, %add3A_195 : i32
    %dma_start3A_197 = arith.constant 3 : i32
    %dma_start3A_198 = arith.constant 0 : i32
    %dma_start3A_199 = tpu.memref_slice %arg4[%dma_start3A_197, %dma_start3A_198] : memref<271x256xf32, #tpu.memory_space<vmem>> -> memref<256x256xf32, #tpu.memory_space<vmem>>
    %dma_start3A_200 = arith.constant 0 : i32
    %dma_start3A_201 = arith.constant 0 : i32
    %dma_start3A_202 = tpu.memref_slice %arg3[%add3A_196, %dma_start3A_200, %dma_start3A_201] : memref<512x512x256xf32, #tpu.memory_space<hbm>> -> memref<1x256x256xf32, #tpu.memory_space<hbm>>
    %dma_start3A_203 = tpu.memref_squeeze %dma_start3A_202 : memref<1x256x256xf32, #tpu.memory_space<hbm>> -> memref<256x256xf32, #tpu.memory_space<hbm>>
    %dma_start3A_204 = arith.constant 0 : i32
    %dma_start3A_205 = arith.constant 0 : i32
    %dma_start3A_206 = tpu.memref_slice %arg3[%add3A_196, %dma_start3A_204, %dma_start3A_205] : memref<512x512x256xf32, #tpu.memory_space<hbm>> -> memref<1x256x256xf32, #tpu.memory_space<hbm>>
    %dma_start3A_207 = tpu.memref_squeeze %dma_start3A_206 : memref<1x256x256xf32, #tpu.memory_space<hbm>> -> memref<256x256xf32, #tpu.memory_space<hbm>>
    %dma_start3A_208 = arith.constant 3 : i32
    %dma_start3A_209 = arith.constant 0 : i32
    %dma_start3A_210 = tpu.memref_slice %arg4[%dma_start3A_208, %dma_start3A_209] : memref<271x256xf32, #tpu.memory_space<vmem>> -> memref<256x256xf32, #tpu.memory_space<vmem>>
    tpu.enqueue_dma source(%dma_start3A_210 : memref<256x256xf32, #tpu.memory_space<vmem>>) target(%dma_start3A_207 : memref<256x256xf32, #tpu.memory_space<hbm>>) target_semaphore(%arg5 : memref<!tpu.dma_semaphore, #tpu.memory_space<semaphore_mem>>)
    %add3A_211 = arith.constant 13 : i32
    %add3A_212 = arith.addi %mul3A_2, %add3A_211 : i32
    %dma_start3A_213 = arith.constant 2 : i32
    %dma_start3A_214 = arith.constant 0 : i32
    %dma_start3A_215 = tpu.memref_slice %arg4[%dma_start3A_213, %dma_start3A_214] : memref<271x256xf32, #tpu.memory_space<vmem>> -> memref<256x256xf32, #tpu.memory_space<vmem>>
    %dma_start3A_216 = arith.constant 0 : i32
    %dma_start3A_217 = arith.constant 0 : i32
    %dma_start3A_218 = tpu.memref_slice %arg3[%add3A_212, %dma_start3A_216, %dma_start3A_217] : memref<512x512x256xf32, #tpu.memory_space<hbm>> -> memref<1x256x256xf32, #tpu.memory_space<hbm>>
    %dma_start3A_219 = tpu.memref_squeeze %dma_start3A_218 : memref<1x256x256xf32, #tpu.memory_space<hbm>> -> memref<256x256xf32, #tpu.memory_space<hbm>>
    %dma_start3A_220 = arith.constant 0 : i32
    %dma_start3A_221 = arith.constant 0 : i32
    %dma_start3A_222 = tpu.memref_slice %arg3[%add3A_212, %dma_start3A_220, %dma_start3A_221] : memref<512x512x256xf32, #tpu.memory_space<hbm>> -> memref<1x256x256xf32, #tpu.memory_space<hbm>>
    %dma_start3A_223 = tpu.memref_squeeze %dma_start3A_222 : memref<1x256x256xf32, #tpu.memory_space<hbm>> -> memref<256x256xf32, #tpu.memory_space<hbm>>
    %dma_start3A_224 = arith.constant 2 : i32
    %dma_start3A_225 = arith.constant 0 : i32
    %dma_start3A_226 = tpu.memref_slice %arg4[%dma_start3A_224, %dma_start3A_225] : memref<271x256xf32, #tpu.memory_space<vmem>> -> memref<256x256xf32, #tpu.memory_space<vmem>>
    tpu.enqueue_dma source(%dma_start3A_226 : memref<256x256xf32, #tpu.memory_space<vmem>>) target(%dma_start3A_223 : memref<256x256xf32, #tpu.memory_space<hbm>>) target_semaphore(%arg5 : memref<!tpu.dma_semaphore, #tpu.memory_space<semaphore_mem>>)
    %add3A_227 = arith.constant 14 : i32
    %add3A_228 = arith.addi %mul3A_2, %add3A_227 : i32
    %dma_start3A_229 = arith.constant 1 : i32
    %dma_start3A_230 = arith.constant 0 : i32
    %dma_start3A_231 = tpu.memref_slice %arg4[%dma_start3A_229, %dma_start3A_230] : memref<271x256xf32, #tpu.memory_space<vmem>> -> memref<256x256xf32, #tpu.memory_space<vmem>>
    %dma_start3A_232 = arith.constant 0 : i32
    %dma_start3A_233 = arith.constant 0 : i32
    %dma_start3A_234 = tpu.memref_slice %arg3[%add3A_228, %dma_start3A_232, %dma_start3A_233] : memref<512x512x256xf32, #tpu.memory_space<hbm>> -> memref<1x256x256xf32, #tpu.memory_space<hbm>>
    %dma_start3A_235 = tpu.memref_squeeze %dma_start3A_234 : memref<1x256x256xf32, #tpu.memory_space<hbm>> -> memref<256x256xf32, #tpu.memory_space<hbm>>
    %dma_start3A_236 = arith.constant 0 : i32
    %dma_start3A_237 = arith.constant 0 : i32
    %dma_start3A_238 = tpu.memref_slice %arg3[%add3A_228, %dma_start3A_236, %dma_start3A_237] : memref<512x512x256xf32, #tpu.memory_space<hbm>> -> memref<1x256x256xf32, #tpu.memory_space<hbm>>
    %dma_start3A_239 = tpu.memref_squeeze %dma_start3A_238 : memref<1x256x256xf32, #tpu.memory_space<hbm>> -> memref<256x256xf32, #tpu.memory_space<hbm>>
    %dma_start3A_240 = arith.constant 1 : i32
    %dma_start3A_241 = arith.constant 0 : i32
    %dma_start3A_242 = tpu.memref_slice %arg4[%dma_start3A_240, %dma_start3A_241] : memref<271x256xf32, #tpu.memory_space<vmem>> -> memref<256x256xf32, #tpu.memory_space<vmem>>
    tpu.enqueue_dma source(%dma_start3A_242 : memref<256x256xf32, #tpu.memory_space<vmem>>) target(%dma_start3A_239 : memref<256x256xf32, #tpu.memory_space<hbm>>) target_semaphore(%arg5 : memref<!tpu.dma_semaphore, #tpu.memory_space<semaphore_mem>>)
    %add3A_243 = arith.constant 15 : i32
    %add3A_244 = arith.addi %mul3A_2, %add3A_243 : i32
    %dma_start3A_245 = arith.constant 0 : i32
    %dma_start3A_246 = arith.constant 0 : i32
    %dma_start3A_247 = tpu.memref_slice %arg4[%dma_start3A_245, %dma_start3A_246] : memref<271x256xf32, #tpu.memory_space<vmem>> -> memref<256x256xf32, #tpu.memory_space<vmem>>
    %dma_start3A_248 = arith.constant 0 : i32
    %dma_start3A_249 = arith.constant 0 : i32
    %dma_start3A_250 = tpu.memref_slice %arg3[%add3A_244, %dma_start3A_248, %dma_start3A_249] : memref<512x512x256xf32, #tpu.memory_space<hbm>> -> memref<1x256x256xf32, #tpu.memory_space<hbm>>
    %dma_start3A_251 = tpu.memref_squeeze %dma_start3A_250 : memref<1x256x256xf32, #tpu.memory_space<hbm>> -> memref<256x256xf32, #tpu.memory_space<hbm>>
    %dma_start3A_252 = arith.constant 0 : i32
    %dma_start3A_253 = arith.constant 0 : i32
    %dma_start3A_254 = tpu.memref_slice %arg3[%add3A_244, %dma_start3A_252, %dma_start3A_253] : memref<512x512x256xf32, #tpu.memory_space<hbm>> -> memref<1x256x256xf32, #tpu.memory_space<hbm>>
    %dma_start3A_255 = tpu.memref_squeeze %dma_start3A_254 : memref<1x256x256xf32, #tpu.memory_space<hbm>> -> memref<256x256xf32, #tpu.memory_space<hbm>>
    %dma_start3A_256 = arith.constant 0 : i32
    %dma_start3A_257 = arith.constant 0 : i32
    %dma_start3A_258 = tpu.memref_slice %arg4[%dma_start3A_256, %dma_start3A_257] : memref<271x256xf32, #tpu.memory_space<vmem>> -> memref<256x256xf32, #tpu.memory_space<vmem>>
    tpu.enqueue_dma source(%dma_start3A_258 : memref<256x256xf32, #tpu.memory_space<vmem>>) target(%dma_start3A_255 : memref<256x256xf32, #tpu.memory_space<hbm>>) target_semaphore(%arg5 : memref<!tpu.dma_semaphore, #tpu.memory_space<semaphore_mem>>)
    %add3A_259 = arith.constant 0 : i32
    %add3A_260 = arith.addi %mul3A_2, %add3A_259 : i32
    %dma_wait3A = arith.constant 15 : i32
    %dma_wait3A_261 = arith.constant 0 : i32
    %dma_wait3A_262 = tpu.memref_slice %arg4[%dma_wait3A, %dma_wait3A_261] : memref<271x256xf32, #tpu.memory_space<vmem>> -> memref<256x256xf32, #tpu.memory_space<vmem>>
    %dma_wait3A_263 = arith.constant 0 : i32
    %dma_wait3A_264 = arith.constant 0 : i32
    %dma_wait3A_265 = tpu.memref_slice %arg3[%add3A_260, %dma_wait3A_263, %dma_wait3A_264] : memref<512x512x256xf32, #tpu.memory_space<hbm>> -> memref<1x256x256xf32, #tpu.memory_space<hbm>>
    %dma_wait3A_266 = tpu.memref_squeeze %dma_wait3A_265 : memref<1x256x256xf32, #tpu.memory_space<hbm>> -> memref<256x256xf32, #tpu.memory_space<hbm>>
    %dma_wait3A_267 = arith.constant 0 : i32
    %dma_wait3A_268 = arith.constant 0 : i32
    %dma_wait3A_269 = tpu.memref_slice %arg3[%add3A_260, %dma_wait3A_267, %dma_wait3A_268] : memref<512x512x256xf32, #tpu.memory_space<hbm>> -> memref<1x256x256xf32, #tpu.memory_space<hbm>>
    %dma_wait3A_270 = tpu.memref_squeeze %dma_wait3A_269 : memref<1x256x256xf32, #tpu.memory_space<hbm>> -> memref<256x256xf32, #tpu.memory_space<hbm>>
    %dma_wait3A_271 = arith.constant 15 : i32
    %dma_wait3A_272 = arith.constant 0 : i32
    %dma_wait3A_273 = tpu.memref_slice %arg4[%dma_wait3A_271, %dma_wait3A_272] : memref<271x256xf32, #tpu.memory_space<vmem>> -> memref<256x256xf32, #tpu.memory_space<vmem>>
    tpu.wait_dma2 semaphore(%arg5 : memref<!tpu.dma_semaphore, #tpu.memory_space<semaphore_mem>>) src(%dma_wait3A_273 : memref<256x256xf32, #tpu.memory_space<vmem>>) dst(%dma_wait3A_270 : memref<256x256xf32, #tpu.memory_space<hbm>>)
    %add3A_274 = arith.constant 1 : i32
    %add3A_275 = arith.addi %mul3A_2, %add3A_274 : i32
    %dma_wait3A_276 = arith.constant 14 : i32
    %dma_wait3A_277 = arith.constant 0 : i32
    %dma_wait3A_278 = tpu.memref_slice %arg4[%dma_wait3A_276, %dma_wait3A_277] : memref<271x256xf32, #tpu.memory_space<vmem>> -> memref<256x256xf32, #tpu.memory_space<vmem>>
    %dma_wait3A_279 = arith.constant 0 : i32
    %dma_wait3A_280 = arith.constant 0 : i32
    %dma_wait3A_281 = tpu.memref_slice %arg3[%add3A_275, %dma_wait3A_279, %dma_wait3A_280] : memref<512x512x256xf32, #tpu.memory_space<hbm>> -> memref<1x256x256xf32, #tpu.memory_space<hbm>>
    %dma_wait3A_282 = tpu.memref_squeeze %dma_wait3A_281 : memref<1x256x256xf32, #tpu.memory_space<hbm>> -> memref<256x256xf32, #tpu.memory_space<hbm>>
    %dma_wait3A_283 = arith.constant 0 : i32
    %dma_wait3A_284 = arith.constant 0 : i32
    %dma_wait3A_285 = tpu.memref_slice %arg3[%add3A_275, %dma_wait3A_283, %dma_wait3A_284] : memref<512x512x256xf32, #tpu.memory_space<hbm>> -> memref<1x256x256xf32, #tpu.memory_space<hbm>>
    %dma_wait3A_286 = tpu.memref_squeeze %dma_wait3A_285 : memref<1x256x256xf32, #tpu.memory_space<hbm>> -> memref<256x256xf32, #tpu.memory_space<hbm>>
    %dma_wait3A_287 = arith.constant 14 : i32
    %dma_wait3A_288 = arith.constant 0 : i32
    %dma_wait3A_289 = tpu.memref_slice %arg4[%dma_wait3A_287, %dma_wait3A_288] : memref<271x256xf32, #tpu.memory_space<vmem>> -> memref<256x256xf32, #tpu.memory_space<vmem>>
    tpu.wait_dma2 semaphore(%arg5 : memref<!tpu.dma_semaphore, #tpu.memory_space<semaphore_mem>>) src(%dma_wait3A_289 : memref<256x256xf32, #tpu.memory_space<vmem>>) dst(%dma_wait3A_286 : memref<256x256xf32, #tpu.memory_space<hbm>>)
    %add3A_290 = arith.constant 2 : i32
    %add3A_291 = arith.addi %mul3A_2, %add3A_290 : i32
    %dma_wait3A_292 = arith.constant 13 : i32
    %dma_wait3A_293 = arith.constant 0 : i32
    %dma_wait3A_294 = tpu.memref_slice %arg4[%dma_wait3A_292, %dma_wait3A_293] : memref<271x256xf32, #tpu.memory_space<vmem>> -> memref<256x256xf32, #tpu.memory_space<vmem>>
    %dma_wait3A_295 = arith.constant 0 : i32
    %dma_wait3A_296 = arith.constant 0 : i32
    %dma_wait3A_297 = tpu.memref_slice %arg3[%add3A_291, %dma_wait3A_295, %dma_wait3A_296] : memref<512x512x256xf32, #tpu.memory_space<hbm>> -> memref<1x256x256xf32, #tpu.memory_space<hbm>>
    %dma_wait3A_298 = tpu.memref_squeeze %dma_wait3A_297 : memref<1x256x256xf32, #tpu.memory_space<hbm>> -> memref<256x256xf32, #tpu.memory_space<hbm>>
    %dma_wait3A_299 = arith.constant 0 : i32
    %dma_wait3A_300 = arith.constant 0 : i32
    %dma_wait3A_301 = tpu.memref_slice %arg3[%add3A_291, %dma_wait3A_299, %dma_wait3A_300] : memref<512x512x256xf32, #tpu.memory_space<hbm>> -> memref<1x256x256xf32, #tpu.memory_space<hbm>>
    %dma_wait3A_302 = tpu.memref_squeeze %dma_wait3A_301 : memref<1x256x256xf32, #tpu.memory_space<hbm>> -> memref<256x256xf32, #tpu.memory_space<hbm>>
    %dma_wait3A_303 = arith.constant 13 : i32
    %dma_wait3A_304 = arith.constant 0 : i32
    %dma_wait3A_305 = tpu.memref_slice %arg4[%dma_wait3A_303, %dma_wait3A_304] : memref<271x256xf32, #tpu.memory_space<vmem>> -> memref<256x256xf32, #tpu.memory_space<vmem>>
    tpu.wait_dma2 semaphore(%arg5 : memref<!tpu.dma_semaphore, #tpu.memory_space<semaphore_mem>>) src(%dma_wait3A_305 : memref<256x256xf32, #tpu.memory_space<vmem>>) dst(%dma_wait3A_302 : memref<256x256xf32, #tpu.memory_space<hbm>>)
    %add3A_306 = arith.constant 3 : i32
    %add3A_307 = arith.addi %mul3A_2, %add3A_306 : i32
    %dma_wait3A_308 = arith.constant 12 : i32
    %dma_wait3A_309 = arith.constant 0 : i32
    %dma_wait3A_310 = tpu.memref_slice %arg4[%dma_wait3A_308, %dma_wait3A_309] : memref<271x256xf32, #tpu.memory_space<vmem>> -> memref<256x256xf32, #tpu.memory_space<vmem>>
    %dma_wait3A_311 = arith.constant 0 : i32
    %dma_wait3A_312 = arith.constant 0 : i32
    %dma_wait3A_313 = tpu.memref_slice %arg3[%add3A_307, %dma_wait3A_311, %dma_wait3A_312] : memref<512x512x256xf32, #tpu.memory_space<hbm>> -> memref<1x256x256xf32, #tpu.memory_space<hbm>>
    %dma_wait3A_314 = tpu.memref_squeeze %dma_wait3A_313 : memref<1x256x256xf32, #tpu.memory_space<hbm>> -> memref<256x256xf32, #tpu.memory_space<hbm>>
    %dma_wait3A_315 = arith.constant 0 : i32
    %dma_wait3A_316 = arith.constant 0 : i32
    %dma_wait3A_317 = tpu.memref_slice %arg3[%add3A_307, %dma_wait3A_315, %dma_wait3A_316] : memref<512x512x256xf32, #tpu.memory_space<hbm>> -> memref<1x256x256xf32, #tpu.memory_space<hbm>>
    %dma_wait3A_318 = tpu.memref_squeeze %dma_wait3A_317 : memref<1x256x256xf32, #tpu.memory_space<hbm>> -> memref<256x256xf32, #tpu.memory_space<hbm>>
    %dma_wait3A_319 = arith.constant 12 : i32
    %dma_wait3A_320 = arith.constant 0 : i32
    %dma_wait3A_321 = tpu.memref_slice %arg4[%dma_wait3A_319, %dma_wait3A_320] : memref<271x256xf32, #tpu.memory_space<vmem>> -> memref<256x256xf32, #tpu.memory_space<vmem>>
    tpu.wait_dma2 semaphore(%arg5 : memref<!tpu.dma_semaphore, #tpu.memory_space<semaphore_mem>>) src(%dma_wait3A_321 : memref<256x256xf32, #tpu.memory_space<vmem>>) dst(%dma_wait3A_318 : memref<256x256xf32, #tpu.memory_space<hbm>>)
    %add3A_322 = arith.constant 4 : i32
    %add3A_323 = arith.addi %mul3A_2, %add3A_322 : i32
    %dma_wait3A_324 = arith.constant 11 : i32
    %dma_wait3A_325 = arith.constant 0 : i32
    %dma_wait3A_326 = tpu.memref_slice %arg4[%dma_wait3A_324, %dma_wait3A_325] : memref<271x256xf32, #tpu.memory_space<vmem>> -> memref<256x256xf32, #tpu.memory_space<vmem>>
    %dma_wait3A_327 = arith.constant 0 : i32
    %dma_wait3A_328 = arith.constant 0 : i32
    %dma_wait3A_329 = tpu.memref_slice %arg3[%add3A_323, %dma_wait3A_327, %dma_wait3A_328] : memref<512x512x256xf32, #tpu.memory_space<hbm>> -> memref<1x256x256xf32, #tpu.memory_space<hbm>>
    %dma_wait3A_330 = tpu.memref_squeeze %dma_wait3A_329 : memref<1x256x256xf32, #tpu.memory_space<hbm>> -> memref<256x256xf32, #tpu.memory_space<hbm>>
    %dma_wait3A_331 = arith.constant 0 : i32
    %dma_wait3A_332 = arith.constant 0 : i32
    %dma_wait3A_333 = tpu.memref_slice %arg3[%add3A_323, %dma_wait3A_331, %dma_wait3A_332] : memref<512x512x256xf32, #tpu.memory_space<hbm>> -> memref<1x256x256xf32, #tpu.memory_space<hbm>>
    %dma_wait3A_334 = tpu.memref_squeeze %dma_wait3A_333 : memref<1x256x256xf32, #tpu.memory_space<hbm>> -> memref<256x256xf32, #tpu.memory_space<hbm>>
    %dma_wait3A_335 = arith.constant 11 : i32
    %dma_wait3A_336 = arith.constant 0 : i32
    %dma_wait3A_337 = tpu.memref_slice %arg4[%dma_wait3A_335, %dma_wait3A_336] : memref<271x256xf32, #tpu.memory_space<vmem>> -> memref<256x256xf32, #tpu.memory_space<vmem>>
    tpu.wait_dma2 semaphore(%arg5 : memref<!tpu.dma_semaphore, #tpu.memory_space<semaphore_mem>>) src(%dma_wait3A_337 : memref<256x256xf32, #tpu.memory_space<vmem>>) dst(%dma_wait3A_334 : memref<256x256xf32, #tpu.memory_space<hbm>>)
    %add3A_338 = arith.constant 5 : i32
    %add3A_339 = arith.addi %mul3A_2, %add3A_338 : i32
    %dma_wait3A_340 = arith.constant 10 : i32
    %dma_wait3A_341 = arith.constant 0 : i32
    %dma_wait3A_342 = tpu.memref_slice %arg4[%dma_wait3A_340, %dma_wait3A_341] : memref<271x256xf32, #tpu.memory_space<vmem>> -> memref<256x256xf32, #tpu.memory_space<vmem>>
    %dma_wait3A_343 = arith.constant 0 : i32
    %dma_wait3A_344 = arith.constant 0 : i32
    %dma_wait3A_345 = tpu.memref_slice %arg3[%add3A_339, %dma_wait3A_343, %dma_wait3A_344] : memref<512x512x256xf32, #tpu.memory_space<hbm>> -> memref<1x256x256xf32, #tpu.memory_space<hbm>>
    %dma_wait3A_346 = tpu.memref_squeeze %dma_wait3A_345 : memref<1x256x256xf32, #tpu.memory_space<hbm>> -> memref<256x256xf32, #tpu.memory_space<hbm>>
    %dma_wait3A_347 = arith.constant 0 : i32
    %dma_wait3A_348 = arith.constant 0 : i32
    %dma_wait3A_349 = tpu.memref_slice %arg3[%add3A_339, %dma_wait3A_347, %dma_wait3A_348] : memref<512x512x256xf32, #tpu.memory_space<hbm>> -> memref<1x256x256xf32, #tpu.memory_space<hbm>>
    %dma_wait3A_350 = tpu.memref_squeeze %dma_wait3A_349 : memref<1x256x256xf32, #tpu.memory_space<hbm>> -> memref<256x256xf32, #tpu.memory_space<hbm>>
    %dma_wait3A_351 = arith.constant 10 : i32
    %dma_wait3A_352 = arith.constant 0 : i32
    %dma_wait3A_353 = tpu.memref_slice %arg4[%dma_wait3A_351, %dma_wait3A_352] : memref<271x256xf32, #tpu.memory_space<vmem>> -> memref<256x256xf32, #tpu.memory_space<vmem>>
    tpu.wait_dma2 semaphore(%arg5 : memref<!tpu.dma_semaphore, #tpu.memory_space<semaphore_mem>>) src(%dma_wait3A_353 : memref<256x256xf32, #tpu.memory_space<vmem>>) dst(%dma_wait3A_350 : memref<256x256xf32, #tpu.memory_space<hbm>>)
    %add3A_354 = arith.constant 6 : i32
    %add3A_355 = arith.addi %mul3A_2, %add3A_354 : i32
    %dma_wait3A_356 = arith.constant 9 : i32
    %dma_wait3A_357 = arith.constant 0 : i32
    %dma_wait3A_358 = tpu.memref_slice %arg4[%dma_wait3A_356, %dma_wait3A_357] : memref<271x256xf32, #tpu.memory_space<vmem>> -> memref<256x256xf32, #tpu.memory_space<vmem>>
    %dma_wait3A_359 = arith.constant 0 : i32
    %dma_wait3A_360 = arith.constant 0 : i32
    %dma_wait3A_361 = tpu.memref_slice %arg3[%add3A_355, %dma_wait3A_359, %dma_wait3A_360] : memref<512x512x256xf32, #tpu.memory_space<hbm>> -> memref<1x256x256xf32, #tpu.memory_space<hbm>>
    %dma_wait3A_362 = tpu.memref_squeeze %dma_wait3A_361 : memref<1x256x256xf32, #tpu.memory_space<hbm>> -> memref<256x256xf32, #tpu.memory_space<hbm>>
    %dma_wait3A_363 = arith.constant 0 : i32
    %dma_wait3A_364 = arith.constant 0 : i32
    %dma_wait3A_365 = tpu.memref_slice %arg3[%add3A_355, %dma_wait3A_363, %dma_wait3A_364] : memref<512x512x256xf32, #tpu.memory_space<hbm>> -> memref<1x256x256xf32, #tpu.memory_space<hbm>>
    %dma_wait3A_366 = tpu.memref_squeeze %dma_wait3A_365 : memref<1x256x256xf32, #tpu.memory_space<hbm>> -> memref<256x256xf32, #tpu.memory_space<hbm>>
    %dma_wait3A_367 = arith.constant 9 : i32
    %dma_wait3A_368 = arith.constant 0 : i32
    %dma_wait3A_369 = tpu.memref_slice %arg4[%dma_wait3A_367, %dma_wait3A_368] : memref<271x256xf32, #tpu.memory_space<vmem>> -> memref<256x256xf32, #tpu.memory_space<vmem>>
    tpu.wait_dma2 semaphore(%arg5 : memref<!tpu.dma_semaphore, #tpu.memory_space<semaphore_mem>>) src(%dma_wait3A_369 : memref<256x256xf32, #tpu.memory_space<vmem>>) dst(%dma_wait3A_366 : memref<256x256xf32, #tpu.memory_space<hbm>>)
    %add3A_370 = arith.constant 7 : i32
    %add3A_371 = arith.addi %mul3A_2, %add3A_370 : i32
    %dma_wait3A_372 = arith.constant 8 : i32
    %dma_wait3A_373 = arith.constant 0 : i32
    %dma_wait3A_374 = tpu.memref_slice %arg4[%dma_wait3A_372, %dma_wait3A_373] : memref<271x256xf32, #tpu.memory_space<vmem>> -> memref<256x256xf32, #tpu.memory_space<vmem>>
    %dma_wait3A_375 = arith.constant 0 : i32
    %dma_wait3A_376 = arith.constant 0 : i32
    %dma_wait3A_377 = tpu.memref_slice %arg3[%add3A_371, %dma_wait3A_375, %dma_wait3A_376] : memref<512x512x256xf32, #tpu.memory_space<hbm>> -> memref<1x256x256xf32, #tpu.memory_space<hbm>>
    %dma_wait3A_378 = tpu.memref_squeeze %dma_wait3A_377 : memref<1x256x256xf32, #tpu.memory_space<hbm>> -> memref<256x256xf32, #tpu.memory_space<hbm>>
    %dma_wait3A_379 = arith.constant 0 : i32
    %dma_wait3A_380 = arith.constant 0 : i32
    %dma_wait3A_381 = tpu.memref_slice %arg3[%add3A_371, %dma_wait3A_379, %dma_wait3A_380] : memref<512x512x256xf32, #tpu.memory_space<hbm>> -> memref<1x256x256xf32, #tpu.memory_space<hbm>>
    %dma_wait3A_382 = tpu.memref_squeeze %dma_wait3A_381 : memref<1x256x256xf32, #tpu.memory_space<hbm>> -> memref<256x256xf32, #tpu.memory_space<hbm>>
    %dma_wait3A_383 = arith.constant 8 : i32
    %dma_wait3A_384 = arith.constant 0 : i32
    %dma_wait3A_385 = tpu.memref_slice %arg4[%dma_wait3A_383, %dma_wait3A_384] : memref<271x256xf32, #tpu.memory_space<vmem>> -> memref<256x256xf32, #tpu.memory_space<vmem>>
    tpu.wait_dma2 semaphore(%arg5 : memref<!tpu.dma_semaphore, #tpu.memory_space<semaphore_mem>>) src(%dma_wait3A_385 : memref<256x256xf32, #tpu.memory_space<vmem>>) dst(%dma_wait3A_382 : memref<256x256xf32, #tpu.memory_space<hbm>>)
    %add3A_386 = arith.constant 8 : i32
    %add3A_387 = arith.addi %mul3A_2, %add3A_386 : i32
    %dma_wait3A_388 = arith.constant 7 : i32
    %dma_wait3A_389 = arith.constant 0 : i32
    %dma_wait3A_390 = tpu.memref_slice %arg4[%dma_wait3A_388, %dma_wait3A_389] : memref<271x256xf32, #tpu.memory_space<vmem>> -> memref<256x256xf32, #tpu.memory_space<vmem>>
    %dma_wait3A_391 = arith.constant 0 : i32
    %dma_wait3A_392 = arith.constant 0 : i32
    %dma_wait3A_393 = tpu.memref_slice %arg3[%add3A_387, %dma_wait3A_391, %dma_wait3A_392] : memref<512x512x256xf32, #tpu.memory_space<hbm>> -> memref<1x256x256xf32, #tpu.memory_space<hbm>>
    %dma_wait3A_394 = tpu.memref_squeeze %dma_wait3A_393 : memref<1x256x256xf32, #tpu.memory_space<hbm>> -> memref<256x256xf32, #tpu.memory_space<hbm>>
    %dma_wait3A_395 = arith.constant 0 : i32
    %dma_wait3A_396 = arith.constant 0 : i32
    %dma_wait3A_397 = tpu.memref_slice %arg3[%add3A_387, %dma_wait3A_395, %dma_wait3A_396] : memref<512x512x256xf32, #tpu.memory_space<hbm>> -> memref<1x256x256xf32, #tpu.memory_space<hbm>>
    %dma_wait3A_398 = tpu.memref_squeeze %dma_wait3A_397 : memref<1x256x256xf32, #tpu.memory_space<hbm>> -> memref<256x256xf32, #tpu.memory_space<hbm>>
    %dma_wait3A_399 = arith.constant 7 : i32
    %dma_wait3A_400 = arith.constant 0 : i32
    %dma_wait3A_401 = tpu.memref_slice %arg4[%dma_wait3A_399, %dma_wait3A_400] : memref<271x256xf32, #tpu.memory_space<vmem>> -> memref<256x256xf32, #tpu.memory_space<vmem>>
    tpu.wait_dma2 semaphore(%arg5 : memref<!tpu.dma_semaphore, #tpu.memory_space<semaphore_mem>>) src(%dma_wait3A_401 : memref<256x256xf32, #tpu.memory_space<vmem>>) dst(%dma_wait3A_398 : memref<256x256xf32, #tpu.memory_space<hbm>>)
    %add3A_402 = arith.constant 9 : i32
    %add3A_403 = arith.addi %mul3A_2, %add3A_402 : i32
    %dma_wait3A_404 = arith.constant 6 : i32
    %dma_wait3A_405 = arith.constant 0 : i32
    %dma_wait3A_406 = tpu.memref_slice %arg4[%dma_wait3A_404, %dma_wait3A_405] : memref<271x256xf32, #tpu.memory_space<vmem>> -> memref<256x256xf32, #tpu.memory_space<vmem>>
    %dma_wait3A_407 = arith.constant 0 : i32
    %dma_wait3A_408 = arith.constant 0 : i32
    %dma_wait3A_409 = tpu.memref_slice %arg3[%add3A_403, %dma_wait3A_407, %dma_wait3A_408] : memref<512x512x256xf32, #tpu.memory_space<hbm>> -> memref<1x256x256xf32, #tpu.memory_space<hbm>>
    %dma_wait3A_410 = tpu.memref_squeeze %dma_wait3A_409 : memref<1x256x256xf32, #tpu.memory_space<hbm>> -> memref<256x256xf32, #tpu.memory_space<hbm>>
    %dma_wait3A_411 = arith.constant 0 : i32
    %dma_wait3A_412 = arith.constant 0 : i32
    %dma_wait3A_413 = tpu.memref_slice %arg3[%add3A_403, %dma_wait3A_411, %dma_wait3A_412] : memref<512x512x256xf32, #tpu.memory_space<hbm>> -> memref<1x256x256xf32, #tpu.memory_space<hbm>>
    %dma_wait3A_414 = tpu.memref_squeeze %dma_wait3A_413 : memref<1x256x256xf32, #tpu.memory_space<hbm>> -> memref<256x256xf32, #tpu.memory_space<hbm>>
    %dma_wait3A_415 = arith.constant 6 : i32
    %dma_wait3A_416 = arith.constant 0 : i32
    %dma_wait3A_417 = tpu.memref_slice %arg4[%dma_wait3A_415, %dma_wait3A_416] : memref<271x256xf32, #tpu.memory_space<vmem>> -> memref<256x256xf32, #tpu.memory_space<vmem>>
    tpu.wait_dma2 semaphore(%arg5 : memref<!tpu.dma_semaphore, #tpu.memory_space<semaphore_mem>>) src(%dma_wait3A_417 : memref<256x256xf32, #tpu.memory_space<vmem>>) dst(%dma_wait3A_414 : memref<256x256xf32, #tpu.memory_space<hbm>>)
    %add3A_418 = arith.constant 10 : i32
    %add3A_419 = arith.addi %mul3A_2, %add3A_418 : i32
    %dma_wait3A_420 = arith.constant 5 : i32
    %dma_wait3A_421 = arith.constant 0 : i32
    %dma_wait3A_422 = tpu.memref_slice %arg4[%dma_wait3A_420, %dma_wait3A_421] : memref<271x256xf32, #tpu.memory_space<vmem>> -> memref<256x256xf32, #tpu.memory_space<vmem>>
    %dma_wait3A_423 = arith.constant 0 : i32
    %dma_wait3A_424 = arith.constant 0 : i32
    %dma_wait3A_425 = tpu.memref_slice %arg3[%add3A_419, %dma_wait3A_423, %dma_wait3A_424] : memref<512x512x256xf32, #tpu.memory_space<hbm>> -> memref<1x256x256xf32, #tpu.memory_space<hbm>>
    %dma_wait3A_426 = tpu.memref_squeeze %dma_wait3A_425 : memref<1x256x256xf32, #tpu.memory_space<hbm>> -> memref<256x256xf32, #tpu.memory_space<hbm>>
    %dma_wait3A_427 = arith.constant 0 : i32
    %dma_wait3A_428 = arith.constant 0 : i32
    %dma_wait3A_429 = tpu.memref_slice %arg3[%add3A_419, %dma_wait3A_427, %dma_wait3A_428] : memref<512x512x256xf32, #tpu.memory_space<hbm>> -> memref<1x256x256xf32, #tpu.memory_space<hbm>>
    %dma_wait3A_430 = tpu.memref_squeeze %dma_wait3A_429 : memref<1x256x256xf32, #tpu.memory_space<hbm>> -> memref<256x256xf32, #tpu.memory_space<hbm>>
    %dma_wait3A_431 = arith.constant 5 : i32
    %dma_wait3A_432 = arith.constant 0 : i32
    %dma_wait3A_433 = tpu.memref_slice %arg4[%dma_wait3A_431, %dma_wait3A_432] : memref<271x256xf32, #tpu.memory_space<vmem>> -> memref<256x256xf32, #tpu.memory_space<vmem>>
    tpu.wait_dma2 semaphore(%arg5 : memref<!tpu.dma_semaphore, #tpu.memory_space<semaphore_mem>>) src(%dma_wait3A_433 : memref<256x256xf32, #tpu.memory_space<vmem>>) dst(%dma_wait3A_430 : memref<256x256xf32, #tpu.memory_space<hbm>>)
    %add3A_434 = arith.constant 11 : i32
    %add3A_435 = arith.addi %mul3A_2, %add3A_434 : i32
    %dma_wait3A_436 = arith.constant 4 : i32
    %dma_wait3A_437 = arith.constant 0 : i32
    %dma_wait3A_438 = tpu.memref_slice %arg4[%dma_wait3A_436, %dma_wait3A_437] : memref<271x256xf32, #tpu.memory_space<vmem>> -> memref<256x256xf32, #tpu.memory_space<vmem>>
    %dma_wait3A_439 = arith.constant 0 : i32
    %dma_wait3A_440 = arith.constant 0 : i32
    %dma_wait3A_441 = tpu.memref_slice %arg3[%add3A_435, %dma_wait3A_439, %dma_wait3A_440] : memref<512x512x256xf32, #tpu.memory_space<hbm>> -> memref<1x256x256xf32, #tpu.memory_space<hbm>>
    %dma_wait3A_442 = tpu.memref_squeeze %dma_wait3A_441 : memref<1x256x256xf32, #tpu.memory_space<hbm>> -> memref<256x256xf32, #tpu.memory_space<hbm>>
    %dma_wait3A_443 = arith.constant 0 : i32
    %dma_wait3A_444 = arith.constant 0 : i32
    %dma_wait3A_445 = tpu.memref_slice %arg3[%add3A_435, %dma_wait3A_443, %dma_wait3A_444] : memref<512x512x256xf32, #tpu.memory_space<hbm>> -> memref<1x256x256xf32, #tpu.memory_space<hbm>>
    %dma_wait3A_446 = tpu.memref_squeeze %dma_wait3A_445 : memref<1x256x256xf32, #tpu.memory_space<hbm>> -> memref<256x256xf32, #tpu.memory_space<hbm>>
    %dma_wait3A_447 = arith.constant 4 : i32
    %dma_wait3A_448 = arith.constant 0 : i32
    %dma_wait3A_449 = tpu.memref_slice %arg4[%dma_wait3A_447, %dma_wait3A_448] : memref<271x256xf32, #tpu.memory_space<vmem>> -> memref<256x256xf32, #tpu.memory_space<vmem>>
    tpu.wait_dma2 semaphore(%arg5 : memref<!tpu.dma_semaphore, #tpu.memory_space<semaphore_mem>>) src(%dma_wait3A_449 : memref<256x256xf32, #tpu.memory_space<vmem>>) dst(%dma_wait3A_446 : memref<256x256xf32, #tpu.memory_space<hbm>>)
    %add3A_450 = arith.constant 12 : i32
    %add3A_451 = arith.addi %mul3A_2, %add3A_450 : i32
    %dma_wait3A_452 = arith.constant 3 : i32
    %dma_wait3A_453 = arith.constant 0 : i32
    %dma_wait3A_454 = tpu.memref_slice %arg4[%dma_wait3A_452, %dma_wait3A_453] : memref<271x256xf32, #tpu.memory_space<vmem>> -> memref<256x256xf32, #tpu.memory_space<vmem>>
    %dma_wait3A_455 = arith.constant 0 : i32
    %dma_wait3A_456 = arith.constant 0 : i32
    %dma_wait3A_457 = tpu.memref_slice %arg3[%add3A_451, %dma_wait3A_455, %dma_wait3A_456] : memref<512x512x256xf32, #tpu.memory_space<hbm>> -> memref<1x256x256xf32, #tpu.memory_space<hbm>>
    %dma_wait3A_458 = tpu.memref_squeeze %dma_wait3A_457 : memref<1x256x256xf32, #tpu.memory_space<hbm>> -> memref<256x256xf32, #tpu.memory_space<hbm>>
    %dma_wait3A_459 = arith.constant 0 : i32
    %dma_wait3A_460 = arith.constant 0 : i32
    %dma_wait3A_461 = tpu.memref_slice %arg3[%add3A_451, %dma_wait3A_459, %dma_wait3A_460] : memref<512x512x256xf32, #tpu.memory_space<hbm>> -> memref<1x256x256xf32, #tpu.memory_space<hbm>>
    %dma_wait3A_462 = tpu.memref_squeeze %dma_wait3A_461 : memref<1x256x256xf32, #tpu.memory_space<hbm>> -> memref<256x256xf32, #tpu.memory_space<hbm>>
    %dma_wait3A_463 = arith.constant 3 : i32
    %dma_wait3A_464 = arith.constant 0 : i32
    %dma_wait3A_465 = tpu.memref_slice %arg4[%dma_wait3A_463, %dma_wait3A_464] : memref<271x256xf32, #tpu.memory_space<vmem>> -> memref<256x256xf32, #tpu.memory_space<vmem>>
    tpu.wait_dma2 semaphore(%arg5 : memref<!tpu.dma_semaphore, #tpu.memory_space<semaphore_mem>>) src(%dma_wait3A_465 : memref<256x256xf32, #tpu.memory_space<vmem>>) dst(%dma_wait3A_462 : memref<256x256xf32, #tpu.memory_space<hbm>>)
    %add3A_466 = arith.constant 13 : i32
    %add3A_467 = arith.addi %mul3A_2, %add3A_466 : i32
    %dma_wait3A_468 = arith.constant 2 : i32
    %dma_wait3A_469 = arith.constant 0 : i32
    %dma_wait3A_470 = tpu.memref_slice %arg4[%dma_wait3A_468, %dma_wait3A_469] : memref<271x256xf32, #tpu.memory_space<vmem>> -> memref<256x256xf32, #tpu.memory_space<vmem>>
    %dma_wait3A_471 = arith.constant 0 : i32
    %dma_wait3A_472 = arith.constant 0 : i32
    %dma_wait3A_473 = tpu.memref_slice %arg3[%add3A_467, %dma_wait3A_471, %dma_wait3A_472] : memref<512x512x256xf32, #tpu.memory_space<hbm>> -> memref<1x256x256xf32, #tpu.memory_space<hbm>>
    %dma_wait3A_474 = tpu.memref_squeeze %dma_wait3A_473 : memref<1x256x256xf32, #tpu.memory_space<hbm>> -> memref<256x256xf32, #tpu.memory_space<hbm>>
    %dma_wait3A_475 = arith.constant 0 : i32
    %dma_wait3A_476 = arith.constant 0 : i32
    %dma_wait3A_477 = tpu.memref_slice %arg3[%add3A_467, %dma_wait3A_475, %dma_wait3A_476] : memref<512x512x256xf32, #tpu.memory_space<hbm>> -> memref<1x256x256xf32, #tpu.memory_space<hbm>>
    %dma_wait3A_478 = tpu.memref_squeeze %dma_wait3A_477 : memref<1x256x256xf32, #tpu.memory_space<hbm>> -> memref<256x256xf32, #tpu.memory_space<hbm>>
    %dma_wait3A_479 = arith.constant 2 : i32
    %dma_wait3A_480 = arith.constant 0 : i32
    %dma_wait3A_481 = tpu.memref_slice %arg4[%dma_wait3A_479, %dma_wait3A_480] : memref<271x256xf32, #tpu.memory_space<vmem>> -> memref<256x256xf32, #tpu.memory_space<vmem>>
    tpu.wait_dma2 semaphore(%arg5 : memref<!tpu.dma_semaphore, #tpu.memory_space<semaphore_mem>>) src(%dma_wait3A_481 : memref<256x256xf32, #tpu.memory_space<vmem>>) dst(%dma_wait3A_478 : memref<256x256xf32, #tpu.memory_space<hbm>>)
    %add3A_482 = arith.constant 14 : i32
    %add3A_483 = arith.addi %mul3A_2, %add3A_482 : i32
    %dma_wait3A_484 = arith.constant 1 : i32
    %dma_wait3A_485 = arith.constant 0 : i32
    %dma_wait3A_486 = tpu.memref_slice %arg4[%dma_wait3A_484, %dma_wait3A_485] : memref<271x256xf32, #tpu.memory_space<vmem>> -> memref<256x256xf32, #tpu.memory_space<vmem>>
    %dma_wait3A_487 = arith.constant 0 : i32
    %dma_wait3A_488 = arith.constant 0 : i32
    %dma_wait3A_489 = tpu.memref_slice %arg3[%add3A_483, %dma_wait3A_487, %dma_wait3A_488] : memref<512x512x256xf32, #tpu.memory_space<hbm>> -> memref<1x256x256xf32, #tpu.memory_space<hbm>>
    %dma_wait3A_490 = tpu.memref_squeeze %dma_wait3A_489 : memref<1x256x256xf32, #tpu.memory_space<hbm>> -> memref<256x256xf32, #tpu.memory_space<hbm>>
    %dma_wait3A_491 = arith.constant 0 : i32
    %dma_wait3A_492 = arith.constant 0 : i32
    %dma_wait3A_493 = tpu.memref_slice %arg3[%add3A_483, %dma_wait3A_491, %dma_wait3A_492] : memref<512x512x256xf32, #tpu.memory_space<hbm>> -> memref<1x256x256xf32, #tpu.memory_space<hbm>>
    %dma_wait3A_494 = tpu.memref_squeeze %dma_wait3A_493 : memref<1x256x256xf32, #tpu.memory_space<hbm>> -> memref<256x256xf32, #tpu.memory_space<hbm>>
    %dma_wait3A_495 = arith.constant 1 : i32
    %dma_wait3A_496 = arith.constant 0 : i32
    %dma_wait3A_497 = tpu.memref_slice %arg4[%dma_wait3A_495, %dma_wait3A_496] : memref<271x256xf32, #tpu.memory_space<vmem>> -> memref<256x256xf32, #tpu.memory_space<vmem>>
    tpu.wait_dma2 semaphore(%arg5 : memref<!tpu.dma_semaphore, #tpu.memory_space<semaphore_mem>>) src(%dma_wait3A_497 : memref<256x256xf32, #tpu.memory_space<vmem>>) dst(%dma_wait3A_494 : memref<256x256xf32, #tpu.memory_space<hbm>>)
    %add3A_498 = arith.constant 15 : i32
    %add3A_499 = arith.addi %mul3A_2, %add3A_498 : i32
    %dma_wait3A_500 = arith.constant 0 : i32
    %dma_wait3A_501 = arith.constant 0 : i32
    %dma_wait3A_502 = tpu.memref_slice %arg4[%dma_wait3A_500, %dma_wait3A_501] : memref<271x256xf32, #tpu.memory_space<vmem>> -> memref<256x256xf32, #tpu.memory_space<vmem>>
    %dma_wait3A_503 = arith.constant 0 : i32
    %dma_wait3A_504 = arith.constant 0 : i32
    %dma_wait3A_505 = tpu.memref_slice %arg3[%add3A_499, %dma_wait3A_503, %dma_wait3A_504] : memref<512x512x256xf32, #tpu.memory_space<hbm>> -> memref<1x256x256xf32, #tpu.memory_space<hbm>>
    %dma_wait3A_506 = tpu.memref_squeeze %dma_wait3A_505 : memref<1x256x256xf32, #tpu.memory_space<hbm>> -> memref<256x256xf32, #tpu.memory_space<hbm>>
    %dma_wait3A_507 = arith.constant 0 : i32
    %dma_wait3A_508 = arith.constant 0 : i32
    %dma_wait3A_509 = tpu.memref_slice %arg3[%add3A_499, %dma_wait3A_507, %dma_wait3A_508] : memref<512x512x256xf32, #tpu.memory_space<hbm>> -> memref<1x256x256xf32, #tpu.memory_space<hbm>>
    %dma_wait3A_510 = tpu.memref_squeeze %dma_wait3A_509 : memref<1x256x256xf32, #tpu.memory_space<hbm>> -> memref<256x256xf32, #tpu.memory_space<hbm>>
    %dma_wait3A_511 = arith.constant 0 : i32
    %dma_wait3A_512 = arith.constant 0 : i32
    %dma_wait3A_513 = tpu.memref_slice %arg4[%dma_wait3A_511, %dma_wait3A_512] : memref<271x256xf32, #tpu.memory_space<vmem>> -> memref<256x256xf32, #tpu.memory_space<vmem>>
    tpu.wait_dma2 semaphore(%arg5 : memref<!tpu.dma_semaphore, #tpu.memory_space<semaphore_mem>>) src(%dma_wait3A_513 : memref<256x256xf32, #tpu.memory_space<vmem>>) dst(%dma_wait3A_510 : memref<256x256xf32, #tpu.memory_space<hbm>>)
    %sub3A_514 = arith.constant 752 : i32
    %sub3A_515 = arith.subi %sub3A_514, %mul3A_2 : i32
    "tpu.region"() ({
      %run_scoped3A = tpu.sem_alloc : memref<!tpu.dma_semaphore, #tpu.memory_space<semaphore_mem>>
      %dma_start3A_1028 = arith.constant 0 : i32
      %dma_start3A_1029 = tpu.memref_slice %arg2[%sub3A_515, %dma_start3A_1028] : memref<1023x256xf32, #tpu.memory_space<hbm>> -> memref<271x256xf32, #tpu.memory_space<hbm>>
      %dma_start3A_1030 = arith.constant 0 : i32
      %dma_start3A_1031 = tpu.memref_slice %arg2[%sub3A_515, %dma_start3A_1030] : memref<1023x256xf32, #tpu.memory_space<hbm>> -> memref<271x256xf32, #tpu.memory_space<hbm>>
      tpu.enqueue_dma source(%dma_start3A_1031 : memref<271x256xf32, #tpu.memory_space<hbm>>) target(%arg4 : memref<271x256xf32, #tpu.memory_space<vmem>>) target_semaphore(%run_scoped3A : memref<!tpu.dma_semaphore, #tpu.memory_space<semaphore_mem>>)
      %dma_wait3A_1032 = arith.constant 0 : i32
      %dma_wait3A_1033 = tpu.memref_slice %arg2[%sub3A_515, %dma_wait3A_1032] : memref<1023x256xf32, #tpu.memory_space<hbm>> -> memref<271x256xf32, #tpu.memory_space<hbm>>
      %dma_wait3A_1034 = arith.constant 0 : i32
      %dma_wait3A_1035 = tpu.memref_slice %arg2[%sub3A_515, %dma_wait3A_1034] : memref<1023x256xf32, #tpu.memory_space<hbm>> -> memref<271x256xf32, #tpu.memory_space<hbm>>
      tpu.wait_dma2 semaphore(%run_scoped3A : memref<!tpu.dma_semaphore, #tpu.memory_space<semaphore_mem>>) src(%dma_wait3A_1035 : memref<271x256xf32, #tpu.memory_space<hbm>>) dst(%arg4 : memref<271x256xf32, #tpu.memory_space<vmem>>)
      tpu.yield
    }) : () -> ()
    %add3A_516 = arith.constant 0 : i32
    %add3A_517 = arith.addi %mul3A_2, %add3A_516 : i32
    %dma_start3A_518 = arith.constant 15 : i32
    %dma_start3A_519 = arith.constant 0 : i32
    %dma_start3A_520 = tpu.memref_slice %arg4[%dma_start3A_518, %dma_start3A_519] : memref<271x256xf32, #tpu.memory_space<vmem>> -> memref<256x256xf32, #tpu.memory_space<vmem>>
    %dma_start3A_521 = arith.constant 256 : i32
    %dma_start3A_522 = arith.constant 0 : i32
    %dma_start3A_523 = tpu.memref_slice %arg3[%add3A_517, %dma_start3A_521, %dma_start3A_522] : memref<512x512x256xf32, #tpu.memory_space<hbm>> -> memref<1x256x256xf32, #tpu.memory_space<hbm>>
    %dma_start3A_524 = tpu.memref_squeeze %dma_start3A_523 : memref<1x256x256xf32, #tpu.memory_space<hbm>> -> memref<256x256xf32, #tpu.memory_space<hbm>>
    %dma_start3A_525 = arith.constant 256 : i32
    %dma_start3A_526 = arith.constant 0 : i32
    %dma_start3A_527 = tpu.memref_slice %arg3[%add3A_517, %dma_start3A_525, %dma_start3A_526] : memref<512x512x256xf32, #tpu.memory_space<hbm>> -> memref<1x256x256xf32, #tpu.memory_space<hbm>>
    %dma_start3A_528 = tpu.memref_squeeze %dma_start3A_527 : memref<1x256x256xf32, #tpu.memory_space<hbm>> -> memref<256x256xf32, #tpu.memory_space<hbm>>
    %dma_start3A_529 = arith.constant 15 : i32
    %dma_start3A_530 = arith.constant 0 : i32
    %dma_start3A_531 = tpu.memref_slice %arg4[%dma_start3A_529, %dma_start3A_530] : memref<271x256xf32, #tpu.memory_space<vmem>> -> memref<256x256xf32, #tpu.memory_space<vmem>>
    tpu.enqueue_dma source(%dma_start3A_531 : memref<256x256xf32, #tpu.memory_space<vmem>>) target(%dma_start3A_528 : memref<256x256xf32, #tpu.memory_space<hbm>>) target_semaphore(%arg5 : memref<!tpu.dma_semaphore, #tpu.memory_space<semaphore_mem>>)
    %add3A_532 = arith.constant 1 : i32
    %add3A_533 = arith.addi %mul3A_2, %add3A_532 : i32
    %dma_start3A_534 = arith.constant 14 : i32
    %dma_start3A_535 = arith.constant 0 : i32
    %dma_start3A_536 = tpu.memref_slice %arg4[%dma_start3A_534, %dma_start3A_535] : memref<271x256xf32, #tpu.memory_space<vmem>> -> memref<256x256xf32, #tpu.memory_space<vmem>>
    %dma_start3A_537 = arith.constant 256 : i32
    %dma_start3A_538 = arith.constant 0 : i32
    %dma_start3A_539 = tpu.memref_slice %arg3[%add3A_533, %dma_start3A_537, %dma_start3A_538] : memref<512x512x256xf32, #tpu.memory_space<hbm>> -> memref<1x256x256xf32, #tpu.memory_space<hbm>>
    %dma_start3A_540 = tpu.memref_squeeze %dma_start3A_539 : memref<1x256x256xf32, #tpu.memory_space<hbm>> -> memref<256x256xf32, #tpu.memory_space<hbm>>
    %dma_start3A_541 = arith.constant 256 : i32
    %dma_start3A_542 = arith.constant 0 : i32
    %dma_start3A_543 = tpu.memref_slice %arg3[%add3A_533, %dma_start3A_541, %dma_start3A_542] : memref<512x512x256xf32, #tpu.memory_space<hbm>> -> memref<1x256x256xf32, #tpu.memory_space<hbm>>
    %dma_start3A_544 = tpu.memref_squeeze %dma_start3A_543 : memref<1x256x256xf32, #tpu.memory_space<hbm>> -> memref<256x256xf32, #tpu.memory_space<hbm>>
    %dma_start3A_545 = arith.constant 14 : i32
    %dma_start3A_546 = arith.constant 0 : i32
    %dma_start3A_547 = tpu.memref_slice %arg4[%dma_start3A_545, %dma_start3A_546] : memref<271x256xf32, #tpu.memory_space<vmem>> -> memref<256x256xf32, #tpu.memory_space<vmem>>
    tpu.enqueue_dma source(%dma_start3A_547 : memref<256x256xf32, #tpu.memory_space<vmem>>) target(%dma_start3A_544 : memref<256x256xf32, #tpu.memory_space<hbm>>) target_semaphore(%arg5 : memref<!tpu.dma_semaphore, #tpu.memory_space<semaphore_mem>>)
    %add3A_548 = arith.constant 2 : i32
    %add3A_549 = arith.addi %mul3A_2, %add3A_548 : i32
    %dma_start3A_550 = arith.constant 13 : i32
    %dma_start3A_551 = arith.constant 0 : i32
    %dma_start3A_552 = tpu.memref_slice %arg4[%dma_start3A_550, %dma_start3A_551] : memref<271x256xf32, #tpu.memory_space<vmem>> -> memref<256x256xf32, #tpu.memory_space<vmem>>
    %dma_start3A_553 = arith.constant 256 : i32
    %dma_start3A_554 = arith.constant 0 : i32
    %dma_start3A_555 = tpu.memref_slice %arg3[%add3A_549, %dma_start3A_553, %dma_start3A_554] : memref<512x512x256xf32, #tpu.memory_space<hbm>> -> memref<1x256x256xf32, #tpu.memory_space<hbm>>
    %dma_start3A_556 = tpu.memref_squeeze %dma_start3A_555 : memref<1x256x256xf32, #tpu.memory_space<hbm>> -> memref<256x256xf32, #tpu.memory_space<hbm>>
    %dma_start3A_557 = arith.constant 256 : i32
    %dma_start3A_558 = arith.constant 0 : i32
    %dma_start3A_559 = tpu.memref_slice %arg3[%add3A_549, %dma_start3A_557, %dma_start3A_558] : memref<512x512x256xf32, #tpu.memory_space<hbm>> -> memref<1x256x256xf32, #tpu.memory_space<hbm>>
    %dma_start3A_560 = tpu.memref_squeeze %dma_start3A_559 : memref<1x256x256xf32, #tpu.memory_space<hbm>> -> memref<256x256xf32, #tpu.memory_space<hbm>>
    %dma_start3A_561 = arith.constant 13 : i32
    %dma_start3A_562 = arith.constant 0 : i32
    %dma_start3A_563 = tpu.memref_slice %arg4[%dma_start3A_561, %dma_start3A_562] : memref<271x256xf32, #tpu.memory_space<vmem>> -> memref<256x256xf32, #tpu.memory_space<vmem>>
    tpu.enqueue_dma source(%dma_start3A_563 : memref<256x256xf32, #tpu.memory_space<vmem>>) target(%dma_start3A_560 : memref<256x256xf32, #tpu.memory_space<hbm>>) target_semaphore(%arg5 : memref<!tpu.dma_semaphore, #tpu.memory_space<semaphore_mem>>)
    %add3A_564 = arith.constant 3 : i32
    %add3A_565 = arith.addi %mul3A_2, %add3A_564 : i32
    %dma_start3A_566 = arith.constant 12 : i32
    %dma_start3A_567 = arith.constant 0 : i32
    %dma_start3A_568 = tpu.memref_slice %arg4[%dma_start3A_566, %dma_start3A_567] : memref<271x256xf32, #tpu.memory_space<vmem>> -> memref<256x256xf32, #tpu.memory_space<vmem>>
    %dma_start3A_569 = arith.constant 256 : i32
    %dma_start3A_570 = arith.constant 0 : i32
    %dma_start3A_571 = tpu.memref_slice %arg3[%add3A_565, %dma_start3A_569, %dma_start3A_570] : memref<512x512x256xf32, #tpu.memory_space<hbm>> -> memref<1x256x256xf32, #tpu.memory_space<hbm>>
    %dma_start3A_572 = tpu.memref_squeeze %dma_start3A_571 : memref<1x256x256xf32, #tpu.memory_space<hbm>> -> memref<256x256xf32, #tpu.memory_space<hbm>>
    %dma_start3A_573 = arith.constant 256 : i32
    %dma_start3A_574 = arith.constant 0 : i32
    %dma_start3A_575 = tpu.memref_slice %arg3[%add3A_565, %dma_start3A_573, %dma_start3A_574] : memref<512x512x256xf32, #tpu.memory_space<hbm>> -> memref<1x256x256xf32, #tpu.memory_space<hbm>>
    %dma_start3A_576 = tpu.memref_squeeze %dma_start3A_575 : memref<1x256x256xf32, #tpu.memory_space<hbm>> -> memref<256x256xf32, #tpu.memory_space<hbm>>
    %dma_start3A_577 = arith.constant 12 : i32
    %dma_start3A_578 = arith.constant 0 : i32
    %dma_start3A_579 = tpu.memref_slice %arg4[%dma_start3A_577, %dma_start3A_578] : memref<271x256xf32, #tpu.memory_space<vmem>> -> memref<256x256xf32, #tpu.memory_space<vmem>>
    tpu.enqueue_dma source(%dma_start3A_579 : memref<256x256xf32, #tpu.memory_space<vmem>>) target(%dma_start3A_576 : memref<256x256xf32, #tpu.memory_space<hbm>>) target_semaphore(%arg5 : memref<!tpu.dma_semaphore, #tpu.memory_space<semaphore_mem>>)
    %add3A_580 = arith.constant 4 : i32
    %add3A_581 = arith.addi %mul3A_2, %add3A_580 : i32
    %dma_start3A_582 = arith.constant 11 : i32
    %dma_start3A_583 = arith.constant 0 : i32
    %dma_start3A_584 = tpu.memref_slice %arg4[%dma_start3A_582, %dma_start3A_583] : memref<271x256xf32, #tpu.memory_space<vmem>> -> memref<256x256xf32, #tpu.memory_space<vmem>>
    %dma_start3A_585 = arith.constant 256 : i32
    %dma_start3A_586 = arith.constant 0 : i32
    %dma_start3A_587 = tpu.memref_slice %arg3[%add3A_581, %dma_start3A_585, %dma_start3A_586] : memref<512x512x256xf32, #tpu.memory_space<hbm>> -> memref<1x256x256xf32, #tpu.memory_space<hbm>>
    %dma_start3A_588 = tpu.memref_squeeze %dma_start3A_587 : memref<1x256x256xf32, #tpu.memory_space<hbm>> -> memref<256x256xf32, #tpu.memory_space<hbm>>
    %dma_start3A_589 = arith.constant 256 : i32
    %dma_start3A_590 = arith.constant 0 : i32
    %dma_start3A_591 = tpu.memref_slice %arg3[%add3A_581, %dma_start3A_589, %dma_start3A_590] : memref<512x512x256xf32, #tpu.memory_space<hbm>> -> memref<1x256x256xf32, #tpu.memory_space<hbm>>
    %dma_start3A_592 = tpu.memref_squeeze %dma_start3A_591 : memref<1x256x256xf32, #tpu.memory_space<hbm>> -> memref<256x256xf32, #tpu.memory_space<hbm>>
    %dma_start3A_593 = arith.constant 11 : i32
    %dma_start3A_594 = arith.constant 0 : i32
    %dma_start3A_595 = tpu.memref_slice %arg4[%dma_start3A_593, %dma_start3A_594] : memref<271x256xf32, #tpu.memory_space<vmem>> -> memref<256x256xf32, #tpu.memory_space<vmem>>
    tpu.enqueue_dma source(%dma_start3A_595 : memref<256x256xf32, #tpu.memory_space<vmem>>) target(%dma_start3A_592 : memref<256x256xf32, #tpu.memory_space<hbm>>) target_semaphore(%arg5 : memref<!tpu.dma_semaphore, #tpu.memory_space<semaphore_mem>>)
    %add3A_596 = arith.constant 5 : i32
    %add3A_597 = arith.addi %mul3A_2, %add3A_596 : i32
    %dma_start3A_598 = arith.constant 10 : i32
    %dma_start3A_599 = arith.constant 0 : i32
    %dma_start3A_600 = tpu.memref_slice %arg4[%dma_start3A_598, %dma_start3A_599] : memref<271x256xf32, #tpu.memory_space<vmem>> -> memref<256x256xf32, #tpu.memory_space<vmem>>
    %dma_start3A_601 = arith.constant 256 : i32
    %dma_start3A_602 = arith.constant 0 : i32
    %dma_start3A_603 = tpu.memref_slice %arg3[%add3A_597, %dma_start3A_601, %dma_start3A_602] : memref<512x512x256xf32, #tpu.memory_space<hbm>> -> memref<1x256x256xf32, #tpu.memory_space<hbm>>
    %dma_start3A_604 = tpu.memref_squeeze %dma_start3A_603 : memref<1x256x256xf32, #tpu.memory_space<hbm>> -> memref<256x256xf32, #tpu.memory_space<hbm>>
    %dma_start3A_605 = arith.constant 256 : i32
    %dma_start3A_606 = arith.constant 0 : i32
    %dma_start3A_607 = tpu.memref_slice %arg3[%add3A_597, %dma_start3A_605, %dma_start3A_606] : memref<512x512x256xf32, #tpu.memory_space<hbm>> -> memref<1x256x256xf32, #tpu.memory_space<hbm>>
    %dma_start3A_608 = tpu.memref_squeeze %dma_start3A_607 : memref<1x256x256xf32, #tpu.memory_space<hbm>> -> memref<256x256xf32, #tpu.memory_space<hbm>>
    %dma_start3A_609 = arith.constant 10 : i32
    %dma_start3A_610 = arith.constant 0 : i32
    %dma_start3A_611 = tpu.memref_slice %arg4[%dma_start3A_609, %dma_start3A_610] : memref<271x256xf32, #tpu.memory_space<vmem>> -> memref<256x256xf32, #tpu.memory_space<vmem>>
    tpu.enqueue_dma source(%dma_start3A_611 : memref<256x256xf32, #tpu.memory_space<vmem>>) target(%dma_start3A_608 : memref<256x256xf32, #tpu.memory_space<hbm>>) target_semaphore(%arg5 : memref<!tpu.dma_semaphore, #tpu.memory_space<semaphore_mem>>)
    %add3A_612 = arith.constant 6 : i32
    %add3A_613 = arith.addi %mul3A_2, %add3A_612 : i32
    %dma_start3A_614 = arith.constant 9 : i32
    %dma_start3A_615 = arith.constant 0 : i32
    %dma_start3A_616 = tpu.memref_slice %arg4[%dma_start3A_614, %dma_start3A_615] : memref<271x256xf32, #tpu.memory_space<vmem>> -> memref<256x256xf32, #tpu.memory_space<vmem>>
    %dma_start3A_617 = arith.constant 256 : i32
    %dma_start3A_618 = arith.constant 0 : i32
    %dma_start3A_619 = tpu.memref_slice %arg3[%add3A_613, %dma_start3A_617, %dma_start3A_618] : memref<512x512x256xf32, #tpu.memory_space<hbm>> -> memref<1x256x256xf32, #tpu.memory_space<hbm>>
    %dma_start3A_620 = tpu.memref_squeeze %dma_start3A_619 : memref<1x256x256xf32, #tpu.memory_space<hbm>> -> memref<256x256xf32, #tpu.memory_space<hbm>>
    %dma_start3A_621 = arith.constant 256 : i32
    %dma_start3A_622 = arith.constant 0 : i32
    %dma_start3A_623 = tpu.memref_slice %arg3[%add3A_613, %dma_start3A_621, %dma_start3A_622] : memref<512x512x256xf32, #tpu.memory_space<hbm>> -> memref<1x256x256xf32, #tpu.memory_space<hbm>>
    %dma_start3A_624 = tpu.memref_squeeze %dma_start3A_623 : memref<1x256x256xf32, #tpu.memory_space<hbm>> -> memref<256x256xf32, #tpu.memory_space<hbm>>
    %dma_start3A_625 = arith.constant 9 : i32
    %dma_start3A_626 = arith.constant 0 : i32
    %dma_start3A_627 = tpu.memref_slice %arg4[%dma_start3A_625, %dma_start3A_626] : memref<271x256xf32, #tpu.memory_space<vmem>> -> memref<256x256xf32, #tpu.memory_space<vmem>>
    tpu.enqueue_dma source(%dma_start3A_627 : memref<256x256xf32, #tpu.memory_space<vmem>>) target(%dma_start3A_624 : memref<256x256xf32, #tpu.memory_space<hbm>>) target_semaphore(%arg5 : memref<!tpu.dma_semaphore, #tpu.memory_space<semaphore_mem>>)
    %add3A_628 = arith.constant 7 : i32
    %add3A_629 = arith.addi %mul3A_2, %add3A_628 : i32
    %dma_start3A_630 = arith.constant 8 : i32
    %dma_start3A_631 = arith.constant 0 : i32
    %dma_start3A_632 = tpu.memref_slice %arg4[%dma_start3A_630, %dma_start3A_631] : memref<271x256xf32, #tpu.memory_space<vmem>> -> memref<256x256xf32, #tpu.memory_space<vmem>>
    %dma_start3A_633 = arith.constant 256 : i32
    %dma_start3A_634 = arith.constant 0 : i32
    %dma_start3A_635 = tpu.memref_slice %arg3[%add3A_629, %dma_start3A_633, %dma_start3A_634] : memref<512x512x256xf32, #tpu.memory_space<hbm>> -> memref<1x256x256xf32, #tpu.memory_space<hbm>>
    %dma_start3A_636 = tpu.memref_squeeze %dma_start3A_635 : memref<1x256x256xf32, #tpu.memory_space<hbm>> -> memref<256x256xf32, #tpu.memory_space<hbm>>
    %dma_start3A_637 = arith.constant 256 : i32
    %dma_start3A_638 = arith.constant 0 : i32
    %dma_start3A_639 = tpu.memref_slice %arg3[%add3A_629, %dma_start3A_637, %dma_start3A_638] : memref<512x512x256xf32, #tpu.memory_space<hbm>> -> memref<1x256x256xf32, #tpu.memory_space<hbm>>
    %dma_start3A_640 = tpu.memref_squeeze %dma_start3A_639 : memref<1x256x256xf32, #tpu.memory_space<hbm>> -> memref<256x256xf32, #tpu.memory_space<hbm>>
    %dma_start3A_641 = arith.constant 8 : i32
    %dma_start3A_642 = arith.constant 0 : i32
    %dma_start3A_643 = tpu.memref_slice %arg4[%dma_start3A_641, %dma_start3A_642] : memref<271x256xf32, #tpu.memory_space<vmem>> -> memref<256x256xf32, #tpu.memory_space<vmem>>
    tpu.enqueue_dma source(%dma_start3A_643 : memref<256x256xf32, #tpu.memory_space<vmem>>) target(%dma_start3A_640 : memref<256x256xf32, #tpu.memory_space<hbm>>) target_semaphore(%arg5 : memref<!tpu.dma_semaphore, #tpu.memory_space<semaphore_mem>>)
    %add3A_644 = arith.constant 8 : i32
    %add3A_645 = arith.addi %mul3A_2, %add3A_644 : i32
    %dma_start3A_646 = arith.constant 7 : i32
    %dma_start3A_647 = arith.constant 0 : i32
    %dma_start3A_648 = tpu.memref_slice %arg4[%dma_start3A_646, %dma_start3A_647] : memref<271x256xf32, #tpu.memory_space<vmem>> -> memref<256x256xf32, #tpu.memory_space<vmem>>
    %dma_start3A_649 = arith.constant 256 : i32
    %dma_start3A_650 = arith.constant 0 : i32
    %dma_start3A_651 = tpu.memref_slice %arg3[%add3A_645, %dma_start3A_649, %dma_start3A_650] : memref<512x512x256xf32, #tpu.memory_space<hbm>> -> memref<1x256x256xf32, #tpu.memory_space<hbm>>
    %dma_start3A_652 = tpu.memref_squeeze %dma_start3A_651 : memref<1x256x256xf32, #tpu.memory_space<hbm>> -> memref<256x256xf32, #tpu.memory_space<hbm>>
    %dma_start3A_653 = arith.constant 256 : i32
    %dma_start3A_654 = arith.constant 0 : i32
    %dma_start3A_655 = tpu.memref_slice %arg3[%add3A_645, %dma_start3A_653, %dma_start3A_654] : memref<512x512x256xf32, #tpu.memory_space<hbm>> -> memref<1x256x256xf32, #tpu.memory_space<hbm>>
    %dma_start3A_656 = tpu.memref_squeeze %dma_start3A_655 : memref<1x256x256xf32, #tpu.memory_space<hbm>> -> memref<256x256xf32, #tpu.memory_space<hbm>>
    %dma_start3A_657 = arith.constant 7 : i32
    %dma_start3A_658 = arith.constant 0 : i32
    %dma_start3A_659 = tpu.memref_slice %arg4[%dma_start3A_657, %dma_start3A_658] : memref<271x256xf32, #tpu.memory_space<vmem>> -> memref<256x256xf32, #tpu.memory_space<vmem>>
    tpu.enqueue_dma source(%dma_start3A_659 : memref<256x256xf32, #tpu.memory_space<vmem>>) target(%dma_start3A_656 : memref<256x256xf32, #tpu.memory_space<hbm>>) target_semaphore(%arg5 : memref<!tpu.dma_semaphore, #tpu.memory_space<semaphore_mem>>)
    %add3A_660 = arith.constant 9 : i32
    %add3A_661 = arith.addi %mul3A_2, %add3A_660 : i32
    %dma_start3A_662 = arith.constant 6 : i32
    %dma_start3A_663 = arith.constant 0 : i32
    %dma_start3A_664 = tpu.memref_slice %arg4[%dma_start3A_662, %dma_start3A_663] : memref<271x256xf32, #tpu.memory_space<vmem>> -> memref<256x256xf32, #tpu.memory_space<vmem>>
    %dma_start3A_665 = arith.constant 256 : i32
    %dma_start3A_666 = arith.constant 0 : i32
    %dma_start3A_667 = tpu.memref_slice %arg3[%add3A_661, %dma_start3A_665, %dma_start3A_666] : memref<512x512x256xf32, #tpu.memory_space<hbm>> -> memref<1x256x256xf32, #tpu.memory_space<hbm>>
    %dma_start3A_668 = tpu.memref_squeeze %dma_start3A_667 : memref<1x256x256xf32, #tpu.memory_space<hbm>> -> memref<256x256xf32, #tpu.memory_space<hbm>>
    %dma_start3A_669 = arith.constant 256 : i32
    %dma_start3A_670 = arith.constant 0 : i32
    %dma_start3A_671 = tpu.memref_slice %arg3[%add3A_661, %dma_start3A_669, %dma_start3A_670] : memref<512x512x256xf32, #tpu.memory_space<hbm>> -> memref<1x256x256xf32, #tpu.memory_space<hbm>>
    %dma_start3A_672 = tpu.memref_squeeze %dma_start3A_671 : memref<1x256x256xf32, #tpu.memory_space<hbm>> -> memref<256x256xf32, #tpu.memory_space<hbm>>
    %dma_start3A_673 = arith.constant 6 : i32
    %dma_start3A_674 = arith.constant 0 : i32
    %dma_start3A_675 = tpu.memref_slice %arg4[%dma_start3A_673, %dma_start3A_674] : memref<271x256xf32, #tpu.memory_space<vmem>> -> memref<256x256xf32, #tpu.memory_space<vmem>>
    tpu.enqueue_dma source(%dma_start3A_675 : memref<256x256xf32, #tpu.memory_space<vmem>>) target(%dma_start3A_672 : memref<256x256xf32, #tpu.memory_space<hbm>>) target_semaphore(%arg5 : memref<!tpu.dma_semaphore, #tpu.memory_space<semaphore_mem>>)
    %add3A_676 = arith.constant 10 : i32
    %add3A_677 = arith.addi %mul3A_2, %add3A_676 : i32
    %dma_start3A_678 = arith.constant 5 : i32
    %dma_start3A_679 = arith.constant 0 : i32
    %dma_start3A_680 = tpu.memref_slice %arg4[%dma_start3A_678, %dma_start3A_679] : memref<271x256xf32, #tpu.memory_space<vmem>> -> memref<256x256xf32, #tpu.memory_space<vmem>>
    %dma_start3A_681 = arith.constant 256 : i32
    %dma_start3A_682 = arith.constant 0 : i32
    %dma_start3A_683 = tpu.memref_slice %arg3[%add3A_677, %dma_start3A_681, %dma_start3A_682] : memref<512x512x256xf32, #tpu.memory_space<hbm>> -> memref<1x256x256xf32, #tpu.memory_space<hbm>>
    %dma_start3A_684 = tpu.memref_squeeze %dma_start3A_683 : memref<1x256x256xf32, #tpu.memory_space<hbm>> -> memref<256x256xf32, #tpu.memory_space<hbm>>
    %dma_start3A_685 = arith.constant 256 : i32
    %dma_start3A_686 = arith.constant 0 : i32
    %dma_start3A_687 = tpu.memref_slice %arg3[%add3A_677, %dma_start3A_685, %dma_start3A_686] : memref<512x512x256xf32, #tpu.memory_space<hbm>> -> memref<1x256x256xf32, #tpu.memory_space<hbm>>
    %dma_start3A_688 = tpu.memref_squeeze %dma_start3A_687 : memref<1x256x256xf32, #tpu.memory_space<hbm>> -> memref<256x256xf32, #tpu.memory_space<hbm>>
    %dma_start3A_689 = arith.constant 5 : i32
    %dma_start3A_690 = arith.constant 0 : i32
    %dma_start3A_691 = tpu.memref_slice %arg4[%dma_start3A_689, %dma_start3A_690] : memref<271x256xf32, #tpu.memory_space<vmem>> -> memref<256x256xf32, #tpu.memory_space<vmem>>
    tpu.enqueue_dma source(%dma_start3A_691 : memref<256x256xf32, #tpu.memory_space<vmem>>) target(%dma_start3A_688 : memref<256x256xf32, #tpu.memory_space<hbm>>) target_semaphore(%arg5 : memref<!tpu.dma_semaphore, #tpu.memory_space<semaphore_mem>>)
    %add3A_692 = arith.constant 11 : i32
    %add3A_693 = arith.addi %mul3A_2, %add3A_692 : i32
    %dma_start3A_694 = arith.constant 4 : i32
    %dma_start3A_695 = arith.constant 0 : i32
    %dma_start3A_696 = tpu.memref_slice %arg4[%dma_start3A_694, %dma_start3A_695] : memref<271x256xf32, #tpu.memory_space<vmem>> -> memref<256x256xf32, #tpu.memory_space<vmem>>
    %dma_start3A_697 = arith.constant 256 : i32
    %dma_start3A_698 = arith.constant 0 : i32
    %dma_start3A_699 = tpu.memref_slice %arg3[%add3A_693, %dma_start3A_697, %dma_start3A_698] : memref<512x512x256xf32, #tpu.memory_space<hbm>> -> memref<1x256x256xf32, #tpu.memory_space<hbm>>
    %dma_start3A_700 = tpu.memref_squeeze %dma_start3A_699 : memref<1x256x256xf32, #tpu.memory_space<hbm>> -> memref<256x256xf32, #tpu.memory_space<hbm>>
    %dma_start3A_701 = arith.constant 256 : i32
    %dma_start3A_702 = arith.constant 0 : i32
    %dma_start3A_703 = tpu.memref_slice %arg3[%add3A_693, %dma_start3A_701, %dma_start3A_702] : memref<512x512x256xf32, #tpu.memory_space<hbm>> -> memref<1x256x256xf32, #tpu.memory_space<hbm>>
    %dma_start3A_704 = tpu.memref_squeeze %dma_start3A_703 : memref<1x256x256xf32, #tpu.memory_space<hbm>> -> memref<256x256xf32, #tpu.memory_space<hbm>>
    %dma_start3A_705 = arith.constant 4 : i32
    %dma_start3A_706 = arith.constant 0 : i32
    %dma_start3A_707 = tpu.memref_slice %arg4[%dma_start3A_705, %dma_start3A_706] : memref<271x256xf32, #tpu.memory_space<vmem>> -> memref<256x256xf32, #tpu.memory_space<vmem>>
    tpu.enqueue_dma source(%dma_start3A_707 : memref<256x256xf32, #tpu.memory_space<vmem>>) target(%dma_start3A_704 : memref<256x256xf32, #tpu.memory_space<hbm>>) target_semaphore(%arg5 : memref<!tpu.dma_semaphore, #tpu.memory_space<semaphore_mem>>)
    %add3A_708 = arith.constant 12 : i32
    %add3A_709 = arith.addi %mul3A_2, %add3A_708 : i32
    %dma_start3A_710 = arith.constant 3 : i32
    %dma_start3A_711 = arith.constant 0 : i32
    %dma_start3A_712 = tpu.memref_slice %arg4[%dma_start3A_710, %dma_start3A_711] : memref<271x256xf32, #tpu.memory_space<vmem>> -> memref<256x256xf32, #tpu.memory_space<vmem>>
    %dma_start3A_713 = arith.constant 256 : i32
    %dma_start3A_714 = arith.constant 0 : i32
    %dma_start3A_715 = tpu.memref_slice %arg3[%add3A_709, %dma_start3A_713, %dma_start3A_714] : memref<512x512x256xf32, #tpu.memory_space<hbm>> -> memref<1x256x256xf32, #tpu.memory_space<hbm>>
    %dma_start3A_716 = tpu.memref_squeeze %dma_start3A_715 : memref<1x256x256xf32, #tpu.memory_space<hbm>> -> memref<256x256xf32, #tpu.memory_space<hbm>>
    %dma_start3A_717 = arith.constant 256 : i32
    %dma_start3A_718 = arith.constant 0 : i32
    %dma_start3A_719 = tpu.memref_slice %arg3[%add3A_709, %dma_start3A_717, %dma_start3A_718] : memref<512x512x256xf32, #tpu.memory_space<hbm>> -> memref<1x256x256xf32, #tpu.memory_space<hbm>>
    %dma_start3A_720 = tpu.memref_squeeze %dma_start3A_719 : memref<1x256x256xf32, #tpu.memory_space<hbm>> -> memref<256x256xf32, #tpu.memory_space<hbm>>
    %dma_start3A_721 = arith.constant 3 : i32
    %dma_start3A_722 = arith.constant 0 : i32
    %dma_start3A_723 = tpu.memref_slice %arg4[%dma_start3A_721, %dma_start3A_722] : memref<271x256xf32, #tpu.memory_space<vmem>> -> memref<256x256xf32, #tpu.memory_space<vmem>>
    tpu.enqueue_dma source(%dma_start3A_723 : memref<256x256xf32, #tpu.memory_space<vmem>>) target(%dma_start3A_720 : memref<256x256xf32, #tpu.memory_space<hbm>>) target_semaphore(%arg5 : memref<!tpu.dma_semaphore, #tpu.memory_space<semaphore_mem>>)
    %add3A_724 = arith.constant 13 : i32
    %add3A_725 = arith.addi %mul3A_2, %add3A_724 : i32
    %dma_start3A_726 = arith.constant 2 : i32
    %dma_start3A_727 = arith.constant 0 : i32
    %dma_start3A_728 = tpu.memref_slice %arg4[%dma_start3A_726, %dma_start3A_727] : memref<271x256xf32, #tpu.memory_space<vmem>> -> memref<256x256xf32, #tpu.memory_space<vmem>>
    %dma_start3A_729 = arith.constant 256 : i32
    %dma_start3A_730 = arith.constant 0 : i32
    %dma_start3A_731 = tpu.memref_slice %arg3[%add3A_725, %dma_start3A_729, %dma_start3A_730] : memref<512x512x256xf32, #tpu.memory_space<hbm>> -> memref<1x256x256xf32, #tpu.memory_space<hbm>>
    %dma_start3A_732 = tpu.memref_squeeze %dma_start3A_731 : memref<1x256x256xf32, #tpu.memory_space<hbm>> -> memref<256x256xf32, #tpu.memory_space<hbm>>
    %dma_start3A_733 = arith.constant 256 : i32
    %dma_start3A_734 = arith.constant 0 : i32
    %dma_start3A_735 = tpu.memref_slice %arg3[%add3A_725, %dma_start3A_733, %dma_start3A_734] : memref<512x512x256xf32, #tpu.memory_space<hbm>> -> memref<1x256x256xf32, #tpu.memory_space<hbm>>
    %dma_start3A_736 = tpu.memref_squeeze %dma_start3A_735 : memref<1x256x256xf32, #tpu.memory_space<hbm>> -> memref<256x256xf32, #tpu.memory_space<hbm>>
    %dma_start3A_737 = arith.constant 2 : i32
    %dma_start3A_738 = arith.constant 0 : i32
    %dma_start3A_739 = tpu.memref_slice %arg4[%dma_start3A_737, %dma_start3A_738] : memref<271x256xf32, #tpu.memory_space<vmem>> -> memref<256x256xf32, #tpu.memory_space<vmem>>
    tpu.enqueue_dma source(%dma_start3A_739 : memref<256x256xf32, #tpu.memory_space<vmem>>) target(%dma_start3A_736 : memref<256x256xf32, #tpu.memory_space<hbm>>) target_semaphore(%arg5 : memref<!tpu.dma_semaphore, #tpu.memory_space<semaphore_mem>>)
    %add3A_740 = arith.constant 14 : i32
    %add3A_741 = arith.addi %mul3A_2, %add3A_740 : i32
    %dma_start3A_742 = arith.constant 1 : i32
    %dma_start3A_743 = arith.constant 0 : i32
    %dma_start3A_744 = tpu.memref_slice %arg4[%dma_start3A_742, %dma_start3A_743] : memref<271x256xf32, #tpu.memory_space<vmem>> -> memref<256x256xf32, #tpu.memory_space<vmem>>
    %dma_start3A_745 = arith.constant 256 : i32
    %dma_start3A_746 = arith.constant 0 : i32
    %dma_start3A_747 = tpu.memref_slice %arg3[%add3A_741, %dma_start3A_745, %dma_start3A_746] : memref<512x512x256xf32, #tpu.memory_space<hbm>> -> memref<1x256x256xf32, #tpu.memory_space<hbm>>
    %dma_start3A_748 = tpu.memref_squeeze %dma_start3A_747 : memref<1x256x256xf32, #tpu.memory_space<hbm>> -> memref<256x256xf32, #tpu.memory_space<hbm>>
    %dma_start3A_749 = arith.constant 256 : i32
    %dma_start3A_750 = arith.constant 0 : i32
    %dma_start3A_751 = tpu.memref_slice %arg3[%add3A_741, %dma_start3A_749, %dma_start3A_750] : memref<512x512x256xf32, #tpu.memory_space<hbm>> -> memref<1x256x256xf32, #tpu.memory_space<hbm>>
    %dma_start3A_752 = tpu.memref_squeeze %dma_start3A_751 : memref<1x256x256xf32, #tpu.memory_space<hbm>> -> memref<256x256xf32, #tpu.memory_space<hbm>>
    %dma_start3A_753 = arith.constant 1 : i32
    %dma_start3A_754 = arith.constant 0 : i32
    %dma_start3A_755 = tpu.memref_slice %arg4[%dma_start3A_753, %dma_start3A_754] : memref<271x256xf32, #tpu.memory_space<vmem>> -> memref<256x256xf32, #tpu.memory_space<vmem>>
    tpu.enqueue_dma source(%dma_start3A_755 : memref<256x256xf32, #tpu.memory_space<vmem>>) target(%dma_start3A_752 : memref<256x256xf32, #tpu.memory_space<hbm>>) target_semaphore(%arg5 : memref<!tpu.dma_semaphore, #tpu.memory_space<semaphore_mem>>)
    %add3A_756 = arith.constant 15 : i32
    %add3A_757 = arith.addi %mul3A_2, %add3A_756 : i32
    %dma_start3A_758 = arith.constant 0 : i32
    %dma_start3A_759 = arith.constant 0 : i32
    %dma_start3A_760 = tpu.memref_slice %arg4[%dma_start3A_758, %dma_start3A_759] : memref<271x256xf32, #tpu.memory_space<vmem>> -> memref<256x256xf32, #tpu.memory_space<vmem>>
    %dma_start3A_761 = arith.constant 256 : i32
    %dma_start3A_762 = arith.constant 0 : i32
    %dma_start3A_763 = tpu.memref_slice %arg3[%add3A_757, %dma_start3A_761, %dma_start3A_762] : memref<512x512x256xf32, #tpu.memory_space<hbm>> -> memref<1x256x256xf32, #tpu.memory_space<hbm>>
    %dma_start3A_764 = tpu.memref_squeeze %dma_start3A_763 : memref<1x256x256xf32, #tpu.memory_space<hbm>> -> memref<256x256xf32, #tpu.memory_space<hbm>>
    %dma_start3A_765 = arith.constant 256 : i32
    %dma_start3A_766 = arith.constant 0 : i32
    %dma_start3A_767 = tpu.memref_slice %arg3[%add3A_757, %dma_start3A_765, %dma_start3A_766] : memref<512x512x256xf32, #tpu.memory_space<hbm>> -> memref<1x256x256xf32, #tpu.memory_space<hbm>>
    %dma_start3A_768 = tpu.memref_squeeze %dma_start3A_767 : memref<1x256x256xf32, #tpu.memory_space<hbm>> -> memref<256x256xf32, #tpu.memory_space<hbm>>
    %dma_start3A_769 = arith.constant 0 : i32
    %dma_start3A_770 = arith.constant 0 : i32
    %dma_start3A_771 = tpu.memref_slice %arg4[%dma_start3A_769, %dma_start3A_770] : memref<271x256xf32, #tpu.memory_space<vmem>> -> memref<256x256xf32, #tpu.memory_space<vmem>>
    tpu.enqueue_dma source(%dma_start3A_771 : memref<256x256xf32, #tpu.memory_space<vmem>>) target(%dma_start3A_768 : memref<256x256xf32, #tpu.memory_space<hbm>>) target_semaphore(%arg5 : memref<!tpu.dma_semaphore, #tpu.memory_space<semaphore_mem>>)
    %add3A_772 = arith.constant 0 : i32
    %add3A_773 = arith.addi %mul3A_2, %add3A_772 : i32
    %dma_wait3A_774 = arith.constant 15 : i32
    %dma_wait3A_775 = arith.constant 0 : i32
    %dma_wait3A_776 = tpu.memref_slice %arg4[%dma_wait3A_774, %dma_wait3A_775] : memref<271x256xf32, #tpu.memory_space<vmem>> -> memref<256x256xf32, #tpu.memory_space<vmem>>
    %dma_wait3A_777 = arith.constant 256 : i32
    %dma_wait3A_778 = arith.constant 0 : i32
    %dma_wait3A_779 = tpu.memref_slice %arg3[%add3A_773, %dma_wait3A_777, %dma_wait3A_778] : memref<512x512x256xf32, #tpu.memory_space<hbm>> -> memref<1x256x256xf32, #tpu.memory_space<hbm>>
    %dma_wait3A_780 = tpu.memref_squeeze %dma_wait3A_779 : memref<1x256x256xf32, #tpu.memory_space<hbm>> -> memref<256x256xf32, #tpu.memory_space<hbm>>
    %dma_wait3A_781 = arith.constant 256 : i32
    %dma_wait3A_782 = arith.constant 0 : i32
    %dma_wait3A_783 = tpu.memref_slice %arg3[%add3A_773, %dma_wait3A_781, %dma_wait3A_782] : memref<512x512x256xf32, #tpu.memory_space<hbm>> -> memref<1x256x256xf32, #tpu.memory_space<hbm>>
    %dma_wait3A_784 = tpu.memref_squeeze %dma_wait3A_783 : memref<1x256x256xf32, #tpu.memory_space<hbm>> -> memref<256x256xf32, #tpu.memory_space<hbm>>
    %dma_wait3A_785 = arith.constant 15 : i32
    %dma_wait3A_786 = arith.constant 0 : i32
    %dma_wait3A_787 = tpu.memref_slice %arg4[%dma_wait3A_785, %dma_wait3A_786] : memref<271x256xf32, #tpu.memory_space<vmem>> -> memref<256x256xf32, #tpu.memory_space<vmem>>
    tpu.wait_dma2 semaphore(%arg5 : memref<!tpu.dma_semaphore, #tpu.memory_space<semaphore_mem>>) src(%dma_wait3A_787 : memref<256x256xf32, #tpu.memory_space<vmem>>) dst(%dma_wait3A_784 : memref<256x256xf32, #tpu.memory_space<hbm>>)
    %add3A_788 = arith.constant 1 : i32
    %add3A_789 = arith.addi %mul3A_2, %add3A_788 : i32
    %dma_wait3A_790 = arith.constant 14 : i32
    %dma_wait3A_791 = arith.constant 0 : i32
    %dma_wait3A_792 = tpu.memref_slice %arg4[%dma_wait3A_790, %dma_wait3A_791] : memref<271x256xf32, #tpu.memory_space<vmem>> -> memref<256x256xf32, #tpu.memory_space<vmem>>
    %dma_wait3A_793 = arith.constant 256 : i32
    %dma_wait3A_794 = arith.constant 0 : i32
    %dma_wait3A_795 = tpu.memref_slice %arg3[%add3A_789, %dma_wait3A_793, %dma_wait3A_794] : memref<512x512x256xf32, #tpu.memory_space<hbm>> -> memref<1x256x256xf32, #tpu.memory_space<hbm>>
    %dma_wait3A_796 = tpu.memref_squeeze %dma_wait3A_795 : memref<1x256x256xf32, #tpu.memory_space<hbm>> -> memref<256x256xf32, #tpu.memory_space<hbm>>
    %dma_wait3A_797 = arith.constant 256 : i32
    %dma_wait3A_798 = arith.constant 0 : i32
    %dma_wait3A_799 = tpu.memref_slice %arg3[%add3A_789, %dma_wait3A_797, %dma_wait3A_798] : memref<512x512x256xf32, #tpu.memory_space<hbm>> -> memref<1x256x256xf32, #tpu.memory_space<hbm>>
    %dma_wait3A_800 = tpu.memref_squeeze %dma_wait3A_799 : memref<1x256x256xf32, #tpu.memory_space<hbm>> -> memref<256x256xf32, #tpu.memory_space<hbm>>
    %dma_wait3A_801 = arith.constant 14 : i32
    %dma_wait3A_802 = arith.constant 0 : i32
    %dma_wait3A_803 = tpu.memref_slice %arg4[%dma_wait3A_801, %dma_wait3A_802] : memref<271x256xf32, #tpu.memory_space<vmem>> -> memref<256x256xf32, #tpu.memory_space<vmem>>
    tpu.wait_dma2 semaphore(%arg5 : memref<!tpu.dma_semaphore, #tpu.memory_space<semaphore_mem>>) src(%dma_wait3A_803 : memref<256x256xf32, #tpu.memory_space<vmem>>) dst(%dma_wait3A_800 : memref<256x256xf32, #tpu.memory_space<hbm>>)
    %add3A_804 = arith.constant 2 : i32
    %add3A_805 = arith.addi %mul3A_2, %add3A_804 : i32
    %dma_wait3A_806 = arith.constant 13 : i32
    %dma_wait3A_807 = arith.constant 0 : i32
    %dma_wait3A_808 = tpu.memref_slice %arg4[%dma_wait3A_806, %dma_wait3A_807] : memref<271x256xf32, #tpu.memory_space<vmem>> -> memref<256x256xf32, #tpu.memory_space<vmem>>
    %dma_wait3A_809 = arith.constant 256 : i32
    %dma_wait3A_810 = arith.constant 0 : i32
    %dma_wait3A_811 = tpu.memref_slice %arg3[%add3A_805, %dma_wait3A_809, %dma_wait3A_810] : memref<512x512x256xf32, #tpu.memory_space<hbm>> -> memref<1x256x256xf32, #tpu.memory_space<hbm>>
    %dma_wait3A_812 = tpu.memref_squeeze %dma_wait3A_811 : memref<1x256x256xf32, #tpu.memory_space<hbm>> -> memref<256x256xf32, #tpu.memory_space<hbm>>
    %dma_wait3A_813 = arith.constant 256 : i32
    %dma_wait3A_814 = arith.constant 0 : i32
    %dma_wait3A_815 = tpu.memref_slice %arg3[%add3A_805, %dma_wait3A_813, %dma_wait3A_814] : memref<512x512x256xf32, #tpu.memory_space<hbm>> -> memref<1x256x256xf32, #tpu.memory_space<hbm>>
    %dma_wait3A_816 = tpu.memref_squeeze %dma_wait3A_815 : memref<1x256x256xf32, #tpu.memory_space<hbm>> -> memref<256x256xf32, #tpu.memory_space<hbm>>
    %dma_wait3A_817 = arith.constant 13 : i32
    %dma_wait3A_818 = arith.constant 0 : i32
    %dma_wait3A_819 = tpu.memref_slice %arg4[%dma_wait3A_817, %dma_wait3A_818] : memref<271x256xf32, #tpu.memory_space<vmem>> -> memref<256x256xf32, #tpu.memory_space<vmem>>
    tpu.wait_dma2 semaphore(%arg5 : memref<!tpu.dma_semaphore, #tpu.memory_space<semaphore_mem>>) src(%dma_wait3A_819 : memref<256x256xf32, #tpu.memory_space<vmem>>) dst(%dma_wait3A_816 : memref<256x256xf32, #tpu.memory_space<hbm>>)
    %add3A_820 = arith.constant 3 : i32
    %add3A_821 = arith.addi %mul3A_2, %add3A_820 : i32
    %dma_wait3A_822 = arith.constant 12 : i32
    %dma_wait3A_823 = arith.constant 0 : i32
    %dma_wait3A_824 = tpu.memref_slice %arg4[%dma_wait3A_822, %dma_wait3A_823] : memref<271x256xf32, #tpu.memory_space<vmem>> -> memref<256x256xf32, #tpu.memory_space<vmem>>
    %dma_wait3A_825 = arith.constant 256 : i32
    %dma_wait3A_826 = arith.constant 0 : i32
    %dma_wait3A_827 = tpu.memref_slice %arg3[%add3A_821, %dma_wait3A_825, %dma_wait3A_826] : memref<512x512x256xf32, #tpu.memory_space<hbm>> -> memref<1x256x256xf32, #tpu.memory_space<hbm>>
    %dma_wait3A_828 = tpu.memref_squeeze %dma_wait3A_827 : memref<1x256x256xf32, #tpu.memory_space<hbm>> -> memref<256x256xf32, #tpu.memory_space<hbm>>
    %dma_wait3A_829 = arith.constant 256 : i32
    %dma_wait3A_830 = arith.constant 0 : i32
    %dma_wait3A_831 = tpu.memref_slice %arg3[%add3A_821, %dma_wait3A_829, %dma_wait3A_830] : memref<512x512x256xf32, #tpu.memory_space<hbm>> -> memref<1x256x256xf32, #tpu.memory_space<hbm>>
    %dma_wait3A_832 = tpu.memref_squeeze %dma_wait3A_831 : memref<1x256x256xf32, #tpu.memory_space<hbm>> -> memref<256x256xf32, #tpu.memory_space<hbm>>
    %dma_wait3A_833 = arith.constant 12 : i32
    %dma_wait3A_834 = arith.constant 0 : i32
    %dma_wait3A_835 = tpu.memref_slice %arg4[%dma_wait3A_833, %dma_wait3A_834] : memref<271x256xf32, #tpu.memory_space<vmem>> -> memref<256x256xf32, #tpu.memory_space<vmem>>
    tpu.wait_dma2 semaphore(%arg5 : memref<!tpu.dma_semaphore, #tpu.memory_space<semaphore_mem>>) src(%dma_wait3A_835 : memref<256x256xf32, #tpu.memory_space<vmem>>) dst(%dma_wait3A_832 : memref<256x256xf32, #tpu.memory_space<hbm>>)
    %add3A_836 = arith.constant 4 : i32
    %add3A_837 = arith.addi %mul3A_2, %add3A_836 : i32
    %dma_wait3A_838 = arith.constant 11 : i32
    %dma_wait3A_839 = arith.constant 0 : i32
    %dma_wait3A_840 = tpu.memref_slice %arg4[%dma_wait3A_838, %dma_wait3A_839] : memref<271x256xf32, #tpu.memory_space<vmem>> -> memref<256x256xf32, #tpu.memory_space<vmem>>
    %dma_wait3A_841 = arith.constant 256 : i32
    %dma_wait3A_842 = arith.constant 0 : i32
    %dma_wait3A_843 = tpu.memref_slice %arg3[%add3A_837, %dma_wait3A_841, %dma_wait3A_842] : memref<512x512x256xf32, #tpu.memory_space<hbm>> -> memref<1x256x256xf32, #tpu.memory_space<hbm>>
    %dma_wait3A_844 = tpu.memref_squeeze %dma_wait3A_843 : memref<1x256x256xf32, #tpu.memory_space<hbm>> -> memref<256x256xf32, #tpu.memory_space<hbm>>
    %dma_wait3A_845 = arith.constant 256 : i32
    %dma_wait3A_846 = arith.constant 0 : i32
    %dma_wait3A_847 = tpu.memref_slice %arg3[%add3A_837, %dma_wait3A_845, %dma_wait3A_846] : memref<512x512x256xf32, #tpu.memory_space<hbm>> -> memref<1x256x256xf32, #tpu.memory_space<hbm>>
    %dma_wait3A_848 = tpu.memref_squeeze %dma_wait3A_847 : memref<1x256x256xf32, #tpu.memory_space<hbm>> -> memref<256x256xf32, #tpu.memory_space<hbm>>
    %dma_wait3A_849 = arith.constant 11 : i32
    %dma_wait3A_850 = arith.constant 0 : i32
    %dma_wait3A_851 = tpu.memref_slice %arg4[%dma_wait3A_849, %dma_wait3A_850] : memref<271x256xf32, #tpu.memory_space<vmem>> -> memref<256x256xf32, #tpu.memory_space<vmem>>
    tpu.wait_dma2 semaphore(%arg5 : memref<!tpu.dma_semaphore, #tpu.memory_space<semaphore_mem>>) src(%dma_wait3A_851 : memref<256x256xf32, #tpu.memory_space<vmem>>) dst(%dma_wait3A_848 : memref<256x256xf32, #tpu.memory_space<hbm>>)
    %add3A_852 = arith.constant 5 : i32
    %add3A_853 = arith.addi %mul3A_2, %add3A_852 : i32
    %dma_wait3A_854 = arith.constant 10 : i32
    %dma_wait3A_855 = arith.constant 0 : i32
    %dma_wait3A_856 = tpu.memref_slice %arg4[%dma_wait3A_854, %dma_wait3A_855] : memref<271x256xf32, #tpu.memory_space<vmem>> -> memref<256x256xf32, #tpu.memory_space<vmem>>
    %dma_wait3A_857 = arith.constant 256 : i32
    %dma_wait3A_858 = arith.constant 0 : i32
    %dma_wait3A_859 = tpu.memref_slice %arg3[%add3A_853, %dma_wait3A_857, %dma_wait3A_858] : memref<512x512x256xf32, #tpu.memory_space<hbm>> -> memref<1x256x256xf32, #tpu.memory_space<hbm>>
    %dma_wait3A_860 = tpu.memref_squeeze %dma_wait3A_859 : memref<1x256x256xf32, #tpu.memory_space<hbm>> -> memref<256x256xf32, #tpu.memory_space<hbm>>
    %dma_wait3A_861 = arith.constant 256 : i32
    %dma_wait3A_862 = arith.constant 0 : i32
    %dma_wait3A_863 = tpu.memref_slice %arg3[%add3A_853, %dma_wait3A_861, %dma_wait3A_862] : memref<512x512x256xf32, #tpu.memory_space<hbm>> -> memref<1x256x256xf32, #tpu.memory_space<hbm>>
    %dma_wait3A_864 = tpu.memref_squeeze %dma_wait3A_863 : memref<1x256x256xf32, #tpu.memory_space<hbm>> -> memref<256x256xf32, #tpu.memory_space<hbm>>
    %dma_wait3A_865 = arith.constant 10 : i32
    %dma_wait3A_866 = arith.constant 0 : i32
    %dma_wait3A_867 = tpu.memref_slice %arg4[%dma_wait3A_865, %dma_wait3A_866] : memref<271x256xf32, #tpu.memory_space<vmem>> -> memref<256x256xf32, #tpu.memory_space<vmem>>
    tpu.wait_dma2 semaphore(%arg5 : memref<!tpu.dma_semaphore, #tpu.memory_space<semaphore_mem>>) src(%dma_wait3A_867 : memref<256x256xf32, #tpu.memory_space<vmem>>) dst(%dma_wait3A_864 : memref<256x256xf32, #tpu.memory_space<hbm>>)
    %add3A_868 = arith.constant 6 : i32
    %add3A_869 = arith.addi %mul3A_2, %add3A_868 : i32
    %dma_wait3A_870 = arith.constant 9 : i32
    %dma_wait3A_871 = arith.constant 0 : i32
    %dma_wait3A_872 = tpu.memref_slice %arg4[%dma_wait3A_870, %dma_wait3A_871] : memref<271x256xf32, #tpu.memory_space<vmem>> -> memref<256x256xf32, #tpu.memory_space<vmem>>
    %dma_wait3A_873 = arith.constant 256 : i32
    %dma_wait3A_874 = arith.constant 0 : i32
    %dma_wait3A_875 = tpu.memref_slice %arg3[%add3A_869, %dma_wait3A_873, %dma_wait3A_874] : memref<512x512x256xf32, #tpu.memory_space<hbm>> -> memref<1x256x256xf32, #tpu.memory_space<hbm>>
    %dma_wait3A_876 = tpu.memref_squeeze %dma_wait3A_875 : memref<1x256x256xf32, #tpu.memory_space<hbm>> -> memref<256x256xf32, #tpu.memory_space<hbm>>
    %dma_wait3A_877 = arith.constant 256 : i32
    %dma_wait3A_878 = arith.constant 0 : i32
    %dma_wait3A_879 = tpu.memref_slice %arg3[%add3A_869, %dma_wait3A_877, %dma_wait3A_878] : memref<512x512x256xf32, #tpu.memory_space<hbm>> -> memref<1x256x256xf32, #tpu.memory_space<hbm>>
    %dma_wait3A_880 = tpu.memref_squeeze %dma_wait3A_879 : memref<1x256x256xf32, #tpu.memory_space<hbm>> -> memref<256x256xf32, #tpu.memory_space<hbm>>
    %dma_wait3A_881 = arith.constant 9 : i32
    %dma_wait3A_882 = arith.constant 0 : i32
    %dma_wait3A_883 = tpu.memref_slice %arg4[%dma_wait3A_881, %dma_wait3A_882] : memref<271x256xf32, #tpu.memory_space<vmem>> -> memref<256x256xf32, #tpu.memory_space<vmem>>
    tpu.wait_dma2 semaphore(%arg5 : memref<!tpu.dma_semaphore, #tpu.memory_space<semaphore_mem>>) src(%dma_wait3A_883 : memref<256x256xf32, #tpu.memory_space<vmem>>) dst(%dma_wait3A_880 : memref<256x256xf32, #tpu.memory_space<hbm>>)
    %add3A_884 = arith.constant 7 : i32
    %add3A_885 = arith.addi %mul3A_2, %add3A_884 : i32
    %dma_wait3A_886 = arith.constant 8 : i32
    %dma_wait3A_887 = arith.constant 0 : i32
    %dma_wait3A_888 = tpu.memref_slice %arg4[%dma_wait3A_886, %dma_wait3A_887] : memref<271x256xf32, #tpu.memory_space<vmem>> -> memref<256x256xf32, #tpu.memory_space<vmem>>
    %dma_wait3A_889 = arith.constant 256 : i32
    %dma_wait3A_890 = arith.constant 0 : i32
    %dma_wait3A_891 = tpu.memref_slice %arg3[%add3A_885, %dma_wait3A_889, %dma_wait3A_890] : memref<512x512x256xf32, #tpu.memory_space<hbm>> -> memref<1x256x256xf32, #tpu.memory_space<hbm>>
    %dma_wait3A_892 = tpu.memref_squeeze %dma_wait3A_891 : memref<1x256x256xf32, #tpu.memory_space<hbm>> -> memref<256x256xf32, #tpu.memory_space<hbm>>
    %dma_wait3A_893 = arith.constant 256 : i32
    %dma_wait3A_894 = arith.constant 0 : i32
    %dma_wait3A_895 = tpu.memref_slice %arg3[%add3A_885, %dma_wait3A_893, %dma_wait3A_894] : memref<512x512x256xf32, #tpu.memory_space<hbm>> -> memref<1x256x256xf32, #tpu.memory_space<hbm>>
    %dma_wait3A_896 = tpu.memref_squeeze %dma_wait3A_895 : memref<1x256x256xf32, #tpu.memory_space<hbm>> -> memref<256x256xf32, #tpu.memory_space<hbm>>
    %dma_wait3A_897 = arith.constant 8 : i32
    %dma_wait3A_898 = arith.constant 0 : i32
    %dma_wait3A_899 = tpu.memref_slice %arg4[%dma_wait3A_897, %dma_wait3A_898] : memref<271x256xf32, #tpu.memory_space<vmem>> -> memref<256x256xf32, #tpu.memory_space<vmem>>
    tpu.wait_dma2 semaphore(%arg5 : memref<!tpu.dma_semaphore, #tpu.memory_space<semaphore_mem>>) src(%dma_wait3A_899 : memref<256x256xf32, #tpu.memory_space<vmem>>) dst(%dma_wait3A_896 : memref<256x256xf32, #tpu.memory_space<hbm>>)
    %add3A_900 = arith.constant 8 : i32
    %add3A_901 = arith.addi %mul3A_2, %add3A_900 : i32
    %dma_wait3A_902 = arith.constant 7 : i32
    %dma_wait3A_903 = arith.constant 0 : i32
    %dma_wait3A_904 = tpu.memref_slice %arg4[%dma_wait3A_902, %dma_wait3A_903] : memref<271x256xf32, #tpu.memory_space<vmem>> -> memref<256x256xf32, #tpu.memory_space<vmem>>
    %dma_wait3A_905 = arith.constant 256 : i32
    %dma_wait3A_906 = arith.constant 0 : i32
    %dma_wait3A_907 = tpu.memref_slice %arg3[%add3A_901, %dma_wait3A_905, %dma_wait3A_906] : memref<512x512x256xf32, #tpu.memory_space<hbm>> -> memref<1x256x256xf32, #tpu.memory_space<hbm>>
    %dma_wait3A_908 = tpu.memref_squeeze %dma_wait3A_907 : memref<1x256x256xf32, #tpu.memory_space<hbm>> -> memref<256x256xf32, #tpu.memory_space<hbm>>
    %dma_wait3A_909 = arith.constant 256 : i32
    %dma_wait3A_910 = arith.constant 0 : i32
    %dma_wait3A_911 = tpu.memref_slice %arg3[%add3A_901, %dma_wait3A_909, %dma_wait3A_910] : memref<512x512x256xf32, #tpu.memory_space<hbm>> -> memref<1x256x256xf32, #tpu.memory_space<hbm>>
    %dma_wait3A_912 = tpu.memref_squeeze %dma_wait3A_911 : memref<1x256x256xf32, #tpu.memory_space<hbm>> -> memref<256x256xf32, #tpu.memory_space<hbm>>
    %dma_wait3A_913 = arith.constant 7 : i32
    %dma_wait3A_914 = arith.constant 0 : i32
    %dma_wait3A_915 = tpu.memref_slice %arg4[%dma_wait3A_913, %dma_wait3A_914] : memref<271x256xf32, #tpu.memory_space<vmem>> -> memref<256x256xf32, #tpu.memory_space<vmem>>
    tpu.wait_dma2 semaphore(%arg5 : memref<!tpu.dma_semaphore, #tpu.memory_space<semaphore_mem>>) src(%dma_wait3A_915 : memref<256x256xf32, #tpu.memory_space<vmem>>) dst(%dma_wait3A_912 : memref<256x256xf32, #tpu.memory_space<hbm>>)
    %add3A_916 = arith.constant 9 : i32
    %add3A_917 = arith.addi %mul3A_2, %add3A_916 : i32
    %dma_wait3A_918 = arith.constant 6 : i32
    %dma_wait3A_919 = arith.constant 0 : i32
    %dma_wait3A_920 = tpu.memref_slice %arg4[%dma_wait3A_918, %dma_wait3A_919] : memref<271x256xf32, #tpu.memory_space<vmem>> -> memref<256x256xf32, #tpu.memory_space<vmem>>
    %dma_wait3A_921 = arith.constant 256 : i32
    %dma_wait3A_922 = arith.constant 0 : i32
    %dma_wait3A_923 = tpu.memref_slice %arg3[%add3A_917, %dma_wait3A_921, %dma_wait3A_922] : memref<512x512x256xf32, #tpu.memory_space<hbm>> -> memref<1x256x256xf32, #tpu.memory_space<hbm>>
    %dma_wait3A_924 = tpu.memref_squeeze %dma_wait3A_923 : memref<1x256x256xf32, #tpu.memory_space<hbm>> -> memref<256x256xf32, #tpu.memory_space<hbm>>
    %dma_wait3A_925 = arith.constant 256 : i32
    %dma_wait3A_926 = arith.constant 0 : i32
    %dma_wait3A_927 = tpu.memref_slice %arg3[%add3A_917, %dma_wait3A_925, %dma_wait3A_926] : memref<512x512x256xf32, #tpu.memory_space<hbm>> -> memref<1x256x256xf32, #tpu.memory_space<hbm>>
    %dma_wait3A_928 = tpu.memref_squeeze %dma_wait3A_927 : memref<1x256x256xf32, #tpu.memory_space<hbm>> -> memref<256x256xf32, #tpu.memory_space<hbm>>
    %dma_wait3A_929 = arith.constant 6 : i32
    %dma_wait3A_930 = arith.constant 0 : i32
    %dma_wait3A_931 = tpu.memref_slice %arg4[%dma_wait3A_929, %dma_wait3A_930] : memref<271x256xf32, #tpu.memory_space<vmem>> -> memref<256x256xf32, #tpu.memory_space<vmem>>
    tpu.wait_dma2 semaphore(%arg5 : memref<!tpu.dma_semaphore, #tpu.memory_space<semaphore_mem>>) src(%dma_wait3A_931 : memref<256x256xf32, #tpu.memory_space<vmem>>) dst(%dma_wait3A_928 : memref<256x256xf32, #tpu.memory_space<hbm>>)
    %add3A_932 = arith.constant 10 : i32
    %add3A_933 = arith.addi %mul3A_2, %add3A_932 : i32
    %dma_wait3A_934 = arith.constant 5 : i32
    %dma_wait3A_935 = arith.constant 0 : i32
    %dma_wait3A_936 = tpu.memref_slice %arg4[%dma_wait3A_934, %dma_wait3A_935] : memref<271x256xf32, #tpu.memory_space<vmem>> -> memref<256x256xf32, #tpu.memory_space<vmem>>
    %dma_wait3A_937 = arith.constant 256 : i32
    %dma_wait3A_938 = arith.constant 0 : i32
    %dma_wait3A_939 = tpu.memref_slice %arg3[%add3A_933, %dma_wait3A_937, %dma_wait3A_938] : memref<512x512x256xf32, #tpu.memory_space<hbm>> -> memref<1x256x256xf32, #tpu.memory_space<hbm>>
    %dma_wait3A_940 = tpu.memref_squeeze %dma_wait3A_939 : memref<1x256x256xf32, #tpu.memory_space<hbm>> -> memref<256x256xf32, #tpu.memory_space<hbm>>
    %dma_wait3A_941 = arith.constant 256 : i32
    %dma_wait3A_942 = arith.constant 0 : i32
    %dma_wait3A_943 = tpu.memref_slice %arg3[%add3A_933, %dma_wait3A_941, %dma_wait3A_942] : memref<512x512x256xf32, #tpu.memory_space<hbm>> -> memref<1x256x256xf32, #tpu.memory_space<hbm>>
    %dma_wait3A_944 = tpu.memref_squeeze %dma_wait3A_943 : memref<1x256x256xf32, #tpu.memory_space<hbm>> -> memref<256x256xf32, #tpu.memory_space<hbm>>
    %dma_wait3A_945 = arith.constant 5 : i32
    %dma_wait3A_946 = arith.constant 0 : i32
    %dma_wait3A_947 = tpu.memref_slice %arg4[%dma_wait3A_945, %dma_wait3A_946] : memref<271x256xf32, #tpu.memory_space<vmem>> -> memref<256x256xf32, #tpu.memory_space<vmem>>
    tpu.wait_dma2 semaphore(%arg5 : memref<!tpu.dma_semaphore, #tpu.memory_space<semaphore_mem>>) src(%dma_wait3A_947 : memref<256x256xf32, #tpu.memory_space<vmem>>) dst(%dma_wait3A_944 : memref<256x256xf32, #tpu.memory_space<hbm>>)
    %add3A_948 = arith.constant 11 : i32
    %add3A_949 = arith.addi %mul3A_2, %add3A_948 : i32
    %dma_wait3A_950 = arith.constant 4 : i32
    %dma_wait3A_951 = arith.constant 0 : i32
    %dma_wait3A_952 = tpu.memref_slice %arg4[%dma_wait3A_950, %dma_wait3A_951] : memref<271x256xf32, #tpu.memory_space<vmem>> -> memref<256x256xf32, #tpu.memory_space<vmem>>
    %dma_wait3A_953 = arith.constant 256 : i32
    %dma_wait3A_954 = arith.constant 0 : i32
    %dma_wait3A_955 = tpu.memref_slice %arg3[%add3A_949, %dma_wait3A_953, %dma_wait3A_954] : memref<512x512x256xf32, #tpu.memory_space<hbm>> -> memref<1x256x256xf32, #tpu.memory_space<hbm>>
    %dma_wait3A_956 = tpu.memref_squeeze %dma_wait3A_955 : memref<1x256x256xf32, #tpu.memory_space<hbm>> -> memref<256x256xf32, #tpu.memory_space<hbm>>
    %dma_wait3A_957 = arith.constant 256 : i32
    %dma_wait3A_958 = arith.constant 0 : i32
    %dma_wait3A_959 = tpu.memref_slice %arg3[%add3A_949, %dma_wait3A_957, %dma_wait3A_958] : memref<512x512x256xf32, #tpu.memory_space<hbm>> -> memref<1x256x256xf32, #tpu.memory_space<hbm>>
    %dma_wait3A_960 = tpu.memref_squeeze %dma_wait3A_959 : memref<1x256x256xf32, #tpu.memory_space<hbm>> -> memref<256x256xf32, #tpu.memory_space<hbm>>
    %dma_wait3A_961 = arith.constant 4 : i32
    %dma_wait3A_962 = arith.constant 0 : i32
    %dma_wait3A_963 = tpu.memref_slice %arg4[%dma_wait3A_961, %dma_wait3A_962] : memref<271x256xf32, #tpu.memory_space<vmem>> -> memref<256x256xf32, #tpu.memory_space<vmem>>
    tpu.wait_dma2 semaphore(%arg5 : memref<!tpu.dma_semaphore, #tpu.memory_space<semaphore_mem>>) src(%dma_wait3A_963 : memref<256x256xf32, #tpu.memory_space<vmem>>) dst(%dma_wait3A_960 : memref<256x256xf32, #tpu.memory_space<hbm>>)
    %add3A_964 = arith.constant 12 : i32
    %add3A_965 = arith.addi %mul3A_2, %add3A_964 : i32
    %dma_wait3A_966 = arith.constant 3 : i32
    %dma_wait3A_967 = arith.constant 0 : i32
    %dma_wait3A_968 = tpu.memref_slice %arg4[%dma_wait3A_966, %dma_wait3A_967] : memref<271x256xf32, #tpu.memory_space<vmem>> -> memref<256x256xf32, #tpu.memory_space<vmem>>
    %dma_wait3A_969 = arith.constant 256 : i32
    %dma_wait3A_970 = arith.constant 0 : i32
    %dma_wait3A_971 = tpu.memref_slice %arg3[%add3A_965, %dma_wait3A_969, %dma_wait3A_970] : memref<512x512x256xf32, #tpu.memory_space<hbm>> -> memref<1x256x256xf32, #tpu.memory_space<hbm>>
    %dma_wait3A_972 = tpu.memref_squeeze %dma_wait3A_971 : memref<1x256x256xf32, #tpu.memory_space<hbm>> -> memref<256x256xf32, #tpu.memory_space<hbm>>
    %dma_wait3A_973 = arith.constant 256 : i32
    %dma_wait3A_974 = arith.constant 0 : i32
    %dma_wait3A_975 = tpu.memref_slice %arg3[%add3A_965, %dma_wait3A_973, %dma_wait3A_974] : memref<512x512x256xf32, #tpu.memory_space<hbm>> -> memref<1x256x256xf32, #tpu.memory_space<hbm>>
    %dma_wait3A_976 = tpu.memref_squeeze %dma_wait3A_975 : memref<1x256x256xf32, #tpu.memory_space<hbm>> -> memref<256x256xf32, #tpu.memory_space<hbm>>
    %dma_wait3A_977 = arith.constant 3 : i32
    %dma_wait3A_978 = arith.constant 0 : i32
    %dma_wait3A_979 = tpu.memref_slice %arg4[%dma_wait3A_977, %dma_wait3A_978] : memref<271x256xf32, #tpu.memory_space<vmem>> -> memref<256x256xf32, #tpu.memory_space<vmem>>
    tpu.wait_dma2 semaphore(%arg5 : memref<!tpu.dma_semaphore, #tpu.memory_space<semaphore_mem>>) src(%dma_wait3A_979 : memref<256x256xf32, #tpu.memory_space<vmem>>) dst(%dma_wait3A_976 : memref<256x256xf32, #tpu.memory_space<hbm>>)
    %add3A_980 = arith.constant 13 : i32
    %add3A_981 = arith.addi %mul3A_2, %add3A_980 : i32
    %dma_wait3A_982 = arith.constant 2 : i32
    %dma_wait3A_983 = arith.constant 0 : i32
    %dma_wait3A_984 = tpu.memref_slice %arg4[%dma_wait3A_982, %dma_wait3A_983] : memref<271x256xf32, #tpu.memory_space<vmem>> -> memref<256x256xf32, #tpu.memory_space<vmem>>
    %dma_wait3A_985 = arith.constant 256 : i32
    %dma_wait3A_986 = arith.constant 0 : i32
    %dma_wait3A_987 = tpu.memref_slice %arg3[%add3A_981, %dma_wait3A_985, %dma_wait3A_986] : memref<512x512x256xf32, #tpu.memory_space<hbm>> -> memref<1x256x256xf32, #tpu.memory_space<hbm>>
    %dma_wait3A_988 = tpu.memref_squeeze %dma_wait3A_987 : memref<1x256x256xf32, #tpu.memory_space<hbm>> -> memref<256x256xf32, #tpu.memory_space<hbm>>
    %dma_wait3A_989 = arith.constant 256 : i32
    %dma_wait3A_990 = arith.constant 0 : i32
    %dma_wait3A_991 = tpu.memref_slice %arg3[%add3A_981, %dma_wait3A_989, %dma_wait3A_990] : memref<512x512x256xf32, #tpu.memory_space<hbm>> -> memref<1x256x256xf32, #tpu.memory_space<hbm>>
    %dma_wait3A_992 = tpu.memref_squeeze %dma_wait3A_991 : memref<1x256x256xf32, #tpu.memory_space<hbm>> -> memref<256x256xf32, #tpu.memory_space<hbm>>
    %dma_wait3A_993 = arith.constant 2 : i32
    %dma_wait3A_994 = arith.constant 0 : i32
    %dma_wait3A_995 = tpu.memref_slice %arg4[%dma_wait3A_993, %dma_wait3A_994] : memref<271x256xf32, #tpu.memory_space<vmem>> -> memref<256x256xf32, #tpu.memory_space<vmem>>
    tpu.wait_dma2 semaphore(%arg5 : memref<!tpu.dma_semaphore, #tpu.memory_space<semaphore_mem>>) src(%dma_wait3A_995 : memref<256x256xf32, #tpu.memory_space<vmem>>) dst(%dma_wait3A_992 : memref<256x256xf32, #tpu.memory_space<hbm>>)
    %add3A_996 = arith.constant 14 : i32
    %add3A_997 = arith.addi %mul3A_2, %add3A_996 : i32
    %dma_wait3A_998 = arith.constant 1 : i32
    %dma_wait3A_999 = arith.constant 0 : i32
    %dma_wait3A_1000 = tpu.memref_slice %arg4[%dma_wait3A_998, %dma_wait3A_999] : memref<271x256xf32, #tpu.memory_space<vmem>> -> memref<256x256xf32, #tpu.memory_space<vmem>>
    %dma_wait3A_1001 = arith.constant 256 : i32
    %dma_wait3A_1002 = arith.constant 0 : i32
    %dma_wait3A_1003 = tpu.memref_slice %arg3[%add3A_997, %dma_wait3A_1001, %dma_wait3A_1002] : memref<512x512x256xf32, #tpu.memory_space<hbm>> -> memref<1x256x256xf32, #tpu.memory_space<hbm>>
    %dma_wait3A_1004 = tpu.memref_squeeze %dma_wait3A_1003 : memref<1x256x256xf32, #tpu.memory_space<hbm>> -> memref<256x256xf32, #tpu.memory_space<hbm>>
    %dma_wait3A_1005 = arith.constant 256 : i32
    %dma_wait3A_1006 = arith.constant 0 : i32
    %dma_wait3A_1007 = tpu.memref_slice %arg3[%add3A_997, %dma_wait3A_1005, %dma_wait3A_1006] : memref<512x512x256xf32, #tpu.memory_space<hbm>> -> memref<1x256x256xf32, #tpu.memory_space<hbm>>
    %dma_wait3A_1008 = tpu.memref_squeeze %dma_wait3A_1007 : memref<1x256x256xf32, #tpu.memory_space<hbm>> -> memref<256x256xf32, #tpu.memory_space<hbm>>
    %dma_wait3A_1009 = arith.constant 1 : i32
    %dma_wait3A_1010 = arith.constant 0 : i32
    %dma_wait3A_1011 = tpu.memref_slice %arg4[%dma_wait3A_1009, %dma_wait3A_1010] : memref<271x256xf32, #tpu.memory_space<vmem>> -> memref<256x256xf32, #tpu.memory_space<vmem>>
    tpu.wait_dma2 semaphore(%arg5 : memref<!tpu.dma_semaphore, #tpu.memory_space<semaphore_mem>>) src(%dma_wait3A_1011 : memref<256x256xf32, #tpu.memory_space<vmem>>) dst(%dma_wait3A_1008 : memref<256x256xf32, #tpu.memory_space<hbm>>)
    %add3A_1012 = arith.constant 15 : i32
    %add3A_1013 = arith.addi %mul3A_2, %add3A_1012 : i32
    %dma_wait3A_1014 = arith.constant 0 : i32
    %dma_wait3A_1015 = arith.constant 0 : i32
    %dma_wait3A_1016 = tpu.memref_slice %arg4[%dma_wait3A_1014, %dma_wait3A_1015] : memref<271x256xf32, #tpu.memory_space<vmem>> -> memref<256x256xf32, #tpu.memory_space<vmem>>
    %dma_wait3A_1017 = arith.constant 256 : i32
    %dma_wait3A_1018 = arith.constant 0 : i32
    %dma_wait3A_1019 = tpu.memref_slice %arg3[%add3A_1013, %dma_wait3A_1017, %dma_wait3A_1018] : memref<512x512x256xf32, #tpu.memory_space<hbm>> -> memref<1x256x256xf32, #tpu.memory_space<hbm>>
    %dma_wait3A_1020 = tpu.memref_squeeze %dma_wait3A_1019 : memref<1x256x256xf32, #tpu.memory_space<hbm>> -> memref<256x256xf32, #tpu.memory_space<hbm>>
    %dma_wait3A_1021 = arith.constant 256 : i32
    %dma_wait3A_1022 = arith.constant 0 : i32
    %dma_wait3A_1023 = tpu.memref_slice %arg3[%add3A_1013, %dma_wait3A_1021, %dma_wait3A_1022] : memref<512x512x256xf32, #tpu.memory_space<hbm>> -> memref<1x256x256xf32, #tpu.memory_space<hbm>>
    %dma_wait3A_1024 = tpu.memref_squeeze %dma_wait3A_1023 : memref<1x256x256xf32, #tpu.memory_space<hbm>> -> memref<256x256xf32, #tpu.memory_space<hbm>>
    %dma_wait3A_1025 = arith.constant 0 : i32
    %dma_wait3A_1026 = arith.constant 0 : i32
    %dma_wait3A_1027 = tpu.memref_slice %arg4[%dma_wait3A_1025, %dma_wait3A_1026] : memref<271x256xf32, #tpu.memory_space<vmem>> -> memref<256x256xf32, #tpu.memory_space<vmem>>
    tpu.wait_dma2 semaphore(%arg5 : memref<!tpu.dma_semaphore, #tpu.memory_space<semaphore_mem>>) src(%dma_wait3A_1027 : memref<256x256xf32, #tpu.memory_space<vmem>>) dst(%dma_wait3A_1024 : memref<256x256xf32, #tpu.memory_space<hbm>>)
    return
  }
}

</mosaic_0001>

<sc_bundles>
// kernel: kernel.3.cloned.1.call-start
scs
__scs_entry_jumppad:
0x0: {  	(pc) =	sbr.rel $0x88, $3  }
0x1: {  	(tag) =	ssettag $0x0;
	lr =	simm.s32 $0x1  }
0x2: {  	[smem:$0x3FA0] =	sst lr;
	_ =	strace $0xD0000000  }
0x3: {  	_ = 	snop  }
0x4: {  	_ = 	snop  }
0x5: {  	_ = 	snop  }
0x6: {  	_ = 	snop  }
0x7: {  	_ = 	snop  }
__scs_overlays_trampoline_lowered:
0x8: {  	[smem:$0x3FAF] =	sst s0  }
0x9: {  	[smem:$0x3FB0] =	sst s1  }
0xa: {  	[smem:$0x3FB1] =	sst s2  }
0xb: {  	[smem:$0x3FB2] =	sst s3  }
0xc: {  	[smem:$0x3FB3] =	sst s4  }
0xd: {  	[smem:$0x3FB4] =	sst s5  }
0xe: {  	[smem:$0x3FB5] =	sst s6  }
0xf: {  	[smem:$0x3FB6] =	sst s7  }
0x10: {  	[smem:$0x3FB7] =	sst s8  }
0x11: {  	[smem:$0x3FB8] =	sst s9;
	s0 =	simm.s32 @!p0 $0x0  }
0x12: {  	s1 =	sld [smem:$0x3F9E];
	s0 =	simm.s32 @p0 $0x1  }
0x13: {  	[smem:$0x3FB9] =	sst s0;
	s0 =	simm.s32 @!p1 $0x0  }
0x14: {  	s2 =	sld [smem:$0x3F9D];
	s0 =	simm.s32 @p1 $0x1  }
0x15: {  	[smem:$0x3FBA] =	sst s0;
	s0 =	simm.s32 @!p2 $0x0  }
0x16: {  	s3 =	sld [smem:$0x3FDB];
	s0 =	simm.s32 @p2 $0x1  }
0x17: {  	s4 =	simm.s32 $0x1BF5;
	[smem:$0x3FBC] =	sst s0  }
0x18: {  	s0 =	sld [smem:$0x3F9F];
	_ =	swait.ge [sflag:s4], $0x0  }
0x19: {  	s7 =	sld [smem:$0x3FA0]  }
0x1a: {  	s8 =	sadd.s32 $0xFFFFE003, lr  }
0x1b: {  	s9 =	sadd.s32 $0xFFFFFEF7, lr;
	s5 =	simm.s32 $0xFFFFFFFF;
	p2 =	slt.u32 s8, $0xFFFFF086  }
0x1c: {  	p1 =	slt.u32 s9, $0xF7A;
	s5 =	simm.s32 @!p2 $0x0  }
0x1d: {  	s5 =	simm.s32 @p1 $0x1;
	p0 =	seq.s32 s7, s2  }
0x1e: {  	s7 =	smul.u32 @!p0 $0xF7A, s2;
	p2 =	seq.s32 @!p0 s5, $0x0  }
0x1f: {  	s9 =	smul.u32 $0xF7A, s1;
	s8 =	simm.s32 @!p0 $0x1BF5;
	p2 =	por !p2, p0  }
0x20: {  	[sflag:s8] =	ssyncset.s32 @!p0 $0xFFFFF086;
	s6 =	sadd.s32 @!p0 s3, s7;
	s7 =	simm.s32 @!p0 $0x108  }
0x21: {  	s3 =	sadd.s32 s3, s9;
	s6 =	sadd.s32 @!p0 $0x88, s6;
	s7 =	simm.s32 @p2 $0x1082  }
0x22: {  	[simem:s7], [sflag:s8] =	dma.local @!p0 [hbm:s6], $0xF7A  }
0x23: {  	s9 =	sor.u32 $0xD0000000, s2;
	s6 =	simm.s32 $0x108;
	_ =	swait.ge @!p0 [sflag:s8], $0x0  }
0x24: {  	s3 =	sadd.s32 $0x88, s3;
	s6 =	simm.s32 @!p1 $0x1082;
	[sflag:s4] =	ssyncset.s32 $0xFFFFF086  }
0x25: {  	[simem:s6], [sflag:s4] =	dma.local [hbm:s3], $0xF7A  }
0x26: {  	[smem:$0x3FA0] =	sst s1;
	(tag) =	ssettag s2;
	_ =	strace s9  }
0x27: {  	s1 =	sld [smem:$0x3FB0]  }
0x28: {  	s2 =	sld [smem:$0x3FB1]  }
0x29: {  	s4 =	sld [smem:$0x3FB3]  }
0x2a: {  	p0 =	seq.s32 s5, $0x0;
	s5 =	sld [smem:$0x3FB4]  }
0x2b: {  	s6 =	sld [smem:$0x3FB5]  }
0x2c: {  	s7 =	sld [smem:$0x3FB6]  }
0x2d: {  	s3 =	simm.s32 $0x108;
	s8 =	sld [smem:$0x3FB7]  }
0x2e: {  	s3 =	simm.s32 @!p0 $0x1082;
	s9 =	sld [smem:$0x3FB8]  }
0x2f: {  	lr =	sadd.s32 s0, s3;
	s0 =	sld [smem:$0x3FAF]  }
0x30: {  	s3 =	sld [smem:$0x3FB2]  }
0x31: {  	[smem:$0x3FBB] =	sst s10  }
0x32: {  	s10 =	sld [smem:$0x3FB9];
	_ =	sdelay $0x3  }
0x33: {  	p0 =	seq.s32 s10, $0x1;
	s10 =	sld [smem:$0x3FBB];
	_ =	sdelay $0x3  }
0x34: {  	[smem:$0x3FBB] =	sst s10  }
0x35: {  	s10 =	sld [smem:$0x3FBA];
	_ =	sdelay $0x3  }
0x36: {  	p1 =	seq.s32 s10, $0x1;
	s10 =	sld [smem:$0x3FBB];
	_ =	sdelay $0x3  }
0x37: {  	[smem:$0x3FBB] =	sst s10  }
0x38: {  	s10 =	sld [smem:$0x3FBC]  }
0x39: {  	_ = 	snop;
	(pc) =	sbr.ind lr, $3  }
0x3a: {  	_ = 	snop  }
0x3b: {  	_ = 	snop  }
0x3c: {  	p2 =	seq.s32 s10, $0x1;
	s10 =	sld [smem:$0x3FBB]  }
0x3d: {  	_ =	shalt  }
0x3e: {  	_ =	shalt  }
0x3f: {  	_ =	shalt  }
0x40: {  	_ =	shalt  }
0x41: {  	_ =	shalt  }
0x42: {  	_ =	shalt  }
0x43: {  	_ =	shalt  }
0x44: {  	_ =	shalt  }
0x45: {  	_ =	shalt  }
0x46: {  	_ =	shalt  }
0x47: {  	_ =	shalt  }
0x48: {  	_ =	shalt  }
0x49: {  	_ =	shalt  }
0x4a: {  	_ =	shalt  }
0x4b: {  	_ =	shalt  }
0x4c: {  	_ =	shalt  }
0x4d: {  	_ =	shalt  }
0x4e: {  	_ =	shalt  }
0x4f: {  	_ =	shalt  }
0x50: {  	_ =	shalt  }
0x51: {  	_ =	shalt  }
0x52: {  	_ =	shalt  }
0x53: {  	_ =	shalt  }
0x54: {  	_ =	shalt  }
0x55: {  	_ =	shalt  }
0x56: {  	_ =	shalt  }
0x57: {  	_ =	shalt  }
0x58: {  	_ =	shalt  }
0x59: {  	_ =	shalt  }
0x5a: {  	_ =	shalt  }
0x5b: {  	_ =	shalt  }
0x5c: {  	_ =	shalt  }
0x5d: {  	_ =	shalt  }
0x5e: {  	_ =	shalt  }
0x5f: {  	_ =	shalt  }
0x60: {  	_ =	shalt  }
0x61: {  	_ =	shalt  }
0x62: {  	_ =	shalt  }
0x63: {  	_ =	shalt  }
0x64: {  	_ =	shalt  }
0x65: {  	_ =	shalt  }
0x66: {  	_ =	shalt  }
0x67: {  	_ =	shalt  }
0x68: {  	_ =	shalt  }
0x69: {  	_ =	shalt  }
0x6a: {  	_ =	shalt  }
0x6b: {  	_ =	shalt  }
0x6c: {  	_ =	shalt  }
0x6d: {  	_ =	shalt  }
0x6e: {  	_ =	shalt  }
0x6f: {  	_ =	shalt  }
0x70: {  	_ =	shalt  }
0x71: {  	_ =	shalt  }
0x72: {  	_ =	shalt  }
0x73: {  	_ =	shalt  }
0x74: {  	_ =	shalt  }
0x75: {  	_ =	shalt  }
0x76: {  	_ =	shalt  }
0x77: {  	_ =	shalt  }
0x78: {  	_ =	shalt  }
0x79: {  	_ =	shalt  }
0x7a: {  	_ =	shalt  }
0x7b: {  	_ =	shalt  }
0x7c: {  	_ =	shalt  }
0x7d: {  	_ =	shalt  }
0x7e: {  	_ =	shalt  }
0x7f: {  	_ =	shalt  }
0x80: {  	_ =	shalt  }
0x81: {  	_ =	shalt  }
0x82: {  	_ =	shalt  }
0x83: {  	_ =	shalt  }
0x84: {  	_ =	shalt  }
0x85: {  	_ =	shalt  }
0x86: {  	_ =	shalt  }
0x87: {  	_ =	shalt  }
.Lfunc_end0:
.L_simem_size_0:
called_computation_lowered:
.L_overlay_start_0:
0x88: {  	s2 =	sld [smem:$0x3FD9]  }
0x89: {  	s3 =	sld [smem:$0x3FFE];
	_ =	sdelay $0x1  }
0x8a: {  	s1 =	srdreg.scid  }
0x8b: {  	s0 =	sand.u32 $0x1, s1  }
0x8c: {  	s17 =	sshll.u32 s0, $0xA;
	s2 =	sadd.s32 s3, s2  }
0x8d: {  	s2 =	sadd.s32 s2, s17  }
0x8e: {  	[smem:$0x3FC7] =	sst s2  }
0x8f: {  	_ = 	snop  }
0x90: {  	s2 =	sld [smem:$0x3FD0];
	(tm) =	ssettm $0x1  }
0x91: {  	s18 =	sld [smem:$0x3FFB];
	_ =	sdelay $0x3  }
0x92: {  	_ =	strace s18  }
0x93: {  	s3 =	sld [smem:$0x3FFC];
	_ =	sdelay $0x3  }
0x94: {  	_ =	strace s3  }
0x95: {  	s3 =	sld [smem:$0x3FFD];
	_ =	sdelay $0x3  }
0x96: {  	_ =	strace s3  }
0x97: {  	_ =	strace $0x8FFFFFFF  }
0x98: {  	s19 =	sld [smem:$0x3FDB];
	_ =	sdelay $0x1  }
0x99: {  	s4 =	simm.s32 $_scs_section_size  }
0x9a: {  	s5 =	simm.s32 $_size__tile_overlayer_lowered;
	s6 =	simm.s32 $_tile_overlayer_lowered  }
0x9b: {  	s22 =	simm.s32 $0x1BFF;
	s21 =	sshll.u32 s6, $0x1;
	s3 =	sadd.s32 s4, s19  }
0x9c: {  	s7 =	simm.s32 $0x0;
	s20 =	sshll.u32 s5, $0x1;
	s5 =	sadd.s32 s21, s3  }
0x9d: {  	[timem:s7], [sflag:s22] =	dma.local [hbm:s5], s20  }
0x9e: {  	_ =	swait.ge [sflag:s22], s20  }
0x9f: {  	s4 =	ssub.s32 $0x0, s20;
	[sflag:s22] =	ssyncset.done $0x0  }
0xa0: {  	[sflag:s22] =	ssyncadd.s32 s4;
	_ =	sdelay $0x1  }
0xa1: {  	s23 =	simm.s32 $0x1B8B  }
0xa2: {  	_ =	swait.ge [sflag:s23], $0x1  }
0xa3: {  	[sflag:s23] =	ssyncset.done $0x0  }
0xa4: {  	s25 =	simm.s32 $0x1B8E;
	s24 =	sld [smem:$0x3FFE];
	[sflag:s23] =	ssyncadd.s32 $0xFFFFFFFF  }
0xa5: {  	s26 =	simm.s32 $execute0_lowered;
	[smem:$0x3FD2] =	sst s25  }
0xa6: {  	s5 =	sshll.u32 s26, $0x1;
	_ =	strace $0x80000046;
	[dreg:$0x1] =	wrdreg $0xFFFFFFFF  }
0xa7: {  	s28 =	simm.s32 $_size_execute0_lowered;
	s3 =	sadd.s32 s3, s5;
	[dreg:$0x0] =	wrdreg $0x0  }
0xa8: {  	s5 =	sshll.u32 s28, $0x1;
	[dreg:$0x2] =	wrdreg s3  }
0xa9: {  	[dreg:$0x3] =	wrdreg s5  }
0xaa: {  	[dreg:$0x4] =	wrdreg $0xC0  }
0xab: {  	_ =	task [dreg:s7], $0x5FFFF  }
0xac: {  	[dreg:$0x1] =	wrdreg $0xFFFFFFFF  }
0xad: {  	[dreg:$0x0] =	wrdreg $0x60  }
0xae: {  	[dreg:$0x2] =	wrdreg s2  }
0xaf: {  	[dreg:$0x3] =	wrdreg s24  }
0xb0: {  	[dreg:$0x4] =	wrdreg $0x9  }
0xb1: {  	_ =	task.clear_ibuf [dreg:s7], $0x5FFFF;
	_ =	strace $0x90000046  }
0xb2: {  	s29 =	simm.s32 $0x9;
	_ =	strace $0x80000048  }
0xb3: {  	_ =	swait.ge [sflag:s29], $0x1  }
0xb4: {  	[sflag:s29] =	ssyncadd.s32 $0xFFFFFFFF  }
0xb5: {  	_ =	strace $0x90000048  }
0xb6: {  	_ =	sfence  }
0xb7: {  	s30 =	sld [smem:$0x0];
	_ =	sdelay $0x2  }
0xb8: {  	s31 =	sshll.u32 s1, $0xD;
	s1 =	sshrl.u32 s1, $0x2  }
0xb9: {  	s3 =	sand.u32 $0x4000, s31;
	s1 =	sadd.s32 s1, s30  }
0xba: {  	s0 =	sor.u32 s3, s0;
	s1 =	sshll.u32 s1, $0x11  }
0xbb: {  	s0 =	sor.u32 s1, s0  }
0xbc: {  	s0 =	sadd.s32 $0x8F2B, s0  }
0xbd: {  	[sflag:s0] =	ssyncadd.remote.s32 $0x1  }
0xbe: {  	_ =	sfence.sel $0xFFFF  }
0xbf: {  	[dreg:$0x0] =	wrdreg $0xFFFFFFFF;
	(pc) =	sbr.abs _section_cstart, $3  }
0xc0: {  	[dreg:$0x1] =	wrdreg $0xFFFFFFFF  }
0xc1: {  	_ =	task.clear_ibuf [dreg:s7], $0x2FFFF;
	_ =	strace $0x9FFFFFFF  }
0xc2: {  	(tm) =	ssettm $0x7FFFFFFF  }
0xc3: {  	_ =	shalt  }
tec
execute0_lowered:
.L_overlay_start_1:
0x0: {  	(tag) =	ssettag $0x1  }
0x1: {  	s0 =	srdreg.scid  }
0x2: {  	s1 =	stileid.u32;
	s0 =	sand.u32 $0x1, s0  }
0x3: {  	s1 =	sshll.u32 s1, $0x5;
	s2 =	sshll.u32 s0, $0x4  }
0x4: {  	s1 =	sor.u32 s2, s1  }
0x5: {  	s4 =	rddreg [dreg:$0x1];
	s5 =	sshll.u32 s1, $0x8;
	s1 =	sshll.u32 s1, $0xE  }
0x6: {  	s3 =	rddreg [dreg:$0x0];
	s2 =	simm.s32 $0x0;
	s1 =	sadd.s32 s1, s4  }
0x7: {  	[smem:$0x7FF] =	sst s2;
	s26 =	sadd.s32 $0x400, s1  }
0x8: {  	_ =	strace $0x80000047;
	s7 =	sadd.s32 $0x8400, s1;
	[dreg:$0x4] =	wrdreg s26  }
0x9: {  	s8 =	sadd.s32 $0xC400, s1;
	[dreg:$0x6] =	wrdreg s7  }
0xa: {  	s9 =	sadd.s32 $0x10400, s1;
	[dreg:$0x7] =	wrdreg s8  }
0xb: {  	s10 =	sadd.s32 $0x14400, s1;
	[dreg:$0x8] =	wrdreg s9  }
0xc: {  	s11 =	sadd.s32 $0x18400, s1;
	[dreg:$0x9] =	wrdreg s10  }
0xd: {  	s12 =	sadd.s32 $0x1C400, s1;
	[dreg:$0xa] =	wrdreg s11  }
0xe: {  	s13 =	sadd.s32 $0x20400, s1;
	[dreg:$0xb] =	wrdreg s12  }
0xf: {  	p0 =	por $0x0, $0x0;
	s14 =	sadd.s32 $0x24400, s1;
	[dreg:$0xc] =	wrdreg s13  }
0x10: {  	s28 =	simm.s32 $0x300;
	s15 =	sadd.s32 $0x28400, s1;
	[dreg:$0xd] =	wrdreg s14  }
0x11: {  	s29 =	simm.s32 $0x200;
	s16 =	sadd.s32 $0x2C400, s1;
	[dreg:$0xe] =	wrdreg s15  }
0x12: {  	s30 =	simm.s32 $0x100;
	s17 =	sadd.s32 $0x30400, s1;
	[dreg:$0xf] =	wrdreg s16  }
0x13: {  	s0 =	ssub.s32 $0x2, s0;
	s18 =	sadd.s32 $0x34400, s1;
	[dreg:$0x10] =	wrdreg s17  }
0x14: {  	s6 =	sshrl.u32 s5, $0x3;
	s19 =	sadd.s32 $0x38400, s1;
	[dreg:$0x11] =	wrdreg s18  }
0x15: {  	s5 =	ssub.s32 $0x2F000, s5;
	s20 =	sadd.s32 $0x3C400, s1;
	[dreg:$0x12] =	wrdreg s19  }
0x16: {  	s6 =	sxor.u32 $0x3E00, s6;
	s21 =	sadd.s32 $0x2400, s1;
	[dreg:$0x13] =	wrdreg s20  }
0x17: {  	s5 =	sshrl.u32 s5, $0x3;
	s22 =	sadd.s32 $0x6400, s1;
	[dreg:$0x15] =	wrdreg s21  }
0x18: {  	s23 =	sadd.s32 $0xA400, s1;
	s24 =	sadd.s32 $0xE400, s1;
	[dreg:$0x16] =	wrdreg s22  }
0x19: {  	s4 =	sadd.s32 $0x16400, s1;
	s25 =	sadd.s32 s3, s6;
	[dreg:$0x17] =	wrdreg s23  }
0x1a: {  	s6 =	sadd.s32 $0x4400, s1;
	s3 =	sadd.s32 s3, s5;
	[dreg:$0x18] =	wrdreg s24  }
0x1b: {  	s26 =	sadd.s32 $0x12400, s1;
	s18 =	sadd.s32 $0x1A400, s1;
	s7 =	sadd.s32 $0x22400, s1  }
0x1c: {  	s8 =	sadd.s32 $0x26400, s1;
	s9 =	sadd.s32 $0x2A400, s1;
	s10 =	sadd.s32 $0x2E400, s1  }
0x1d: {  	s11 =	sadd.s32 $0x32400, s1;
	s12 =	sadd.s32 $0x36400, s1;
	s13 =	sadd.s32 $0x3A400, s1  }
0x1e: {  	s14 =	sadd.s32 $0x3E400, s1;
	[dreg:$0x3] =	wrdreg s25;
	s25 =	sshrl.u32 s0, $0x1  }
0x1f: {  	s24 =	simm.s32 $0xF00;
	s23 =	simm.s32 $0xE00;
	s0 =	ssub.s32 s0, s25  }
0x20: {  	s22 =	simm.s32 $0xD00;
	s15 =	simm.s32 $0xC00;
	s0 =	smax.u32 s0, $0x1  }
0x21: {  	s16 =	simm.s32 $0xB00;
	s17 =	simm.s32 $0xA00;
	p1 =	sne.s32 s0, $0x1  }
.Ltmp0:
0x22: {  	s5 =	simm.s32 $0x900;
	[dreg:$0x5] =	wrdreg s6;
	(pc) =	sbr.rel @!p1 .LBB2_5-.Ltmp0, $4  }
0x23: {  	s19 =	simm.s32 $0x800;
	s20 =	simm.s32 $0x700;
	[dreg:$0x14] =	wrdreg s3  }
0x24: {  	s21 =	simm.s32 $0x600;
	[dreg:$0x19] =	wrdreg s26;
	s6 =	sadd.s32 $0x1E400, s1  }
0x25: {  	s1 =	simm.s32 $0x2;
	s26 =	simm.s32 $0x400;
	s3 =	simm.s32 $0x1  }
0x26: {  	s25 =	simm.s32 $0x500;
	s31 =	sadd.s32 $0xFFFFFFFF, s0;
	s0 =	rddreg [dreg:$0x3]  }
0x27: {  	[tilespmem:s2], [sflag:$0x2] =	stream.linear.gather [hbm4b:s0+s2], $0x10F00, $0x38;
	[tilespmem:$0x10F00] =	vst v63  }
0x28: {  	_ =	swait.ge [sflag:s1], $0x10F00  }
0x29: {  	[dreg:$0x1a] =	wrdreg s31;
	[sflag:s1] =	ssyncset.done $0x0  }
0x2a: {  	s0 =	rddreg [dreg:$0x4];
	[sflag:s1] =	ssyncadd.s32 $0xFFFEF100  }
0x2b: {  	[hbm4b:s0+s2] =	stream.linear.scatter [tilespmem:s24], [sflag:$0x1], $0x10000, $0x38;
	[tilespmem:$0x10F00] =	vst v63  }
0x2c: {  	s1 =	rddreg [dreg:$0x5]  }
0x2d: {  	[hbm4b:s1+s2] =	stream.linear.scatter [tilespmem:s23], [sflag:$0x1], $0x10000, $0x38;
	[tilespmem:$0x10F00] =	vst v63  }
0x2e: {  	s0 =	rddreg [dreg:$0x6]  }
0x2f: {  	[hbm4b:s0+s2] =	stream.linear.scatter [tilespmem:s22], [sflag:$0x1], $0x10000, $0x38;
	[tilespmem:$0x10F00] =	vst v63  }
0x30: {  	s1 =	rddreg [dreg:$0x7]  }
0x31: {  	[hbm4b:s1+s2] =	stream.linear.scatter [tilespmem:s15], [sflag:$0x1], $0x10000, $0x38;
	[tilespmem:$0x10F00] =	vst v63  }
0x32: {  	s0 =	rddreg [dreg:$0x8]  }
0x33: {  	[hbm4b:s0+s2] =	stream.linear.scatter [tilespmem:s16], [sflag:$0x1], $0x10000, $0x38;
	[tilespmem:$0x10F00] =	vst v63  }
0x34: {  	s1 =	rddreg [dreg:$0x9]  }
0x35: {  	[hbm4b:s1+s2] =	stream.linear.scatter [tilespmem:s17], [sflag:$0x1], $0x10000, $0x38;
	[tilespmem:$0x10F00] =	vst v63  }
0x36: {  	s0 =	rddreg [dreg:$0xa]  }
0x37: {  	[hbm4b:s0+s2] =	stream.linear.scatter [tilespmem:s5], [sflag:$0x1], $0x10000, $0x38;
	[tilespmem:$0x10F00] =	vst v63  }
0x38: {  	s1 =	rddreg [dreg:$0xb]  }
0x39: {  	[hbm4b:s1+s2] =	stream.linear.scatter [tilespmem:s19], [sflag:$0x1], $0x10000, $0x38;
	[tilespmem:$0x10F00] =	vst v63  }
0x3a: {  	s0 =	rddreg [dreg:$0xc]  }
0x3b: {  	[hbm4b:s0+s2] =	stream.linear.scatter [tilespmem:s20], [sflag:$0x1], $0x10000, $0x38;
	[tilespmem:$0x10F00] =	vst v63  }
0x3c: {  	s1 =	rddreg [dreg:$0xd]  }
0x3d: {  	[hbm4b:s1+s2] =	stream.linear.scatter [tilespmem:s21], [sflag:$0x1], $0x10000, $0x38;
	[tilespmem:$0x10F00] =	vst v63  }
0x3e: {  	s0 =	rddreg [dreg:$0xe]  }
0x3f: {  	[hbm4b:s0+s2] =	stream.linear.scatter [tilespmem:s25], [sflag:$0x1], $0x10000, $0x38;
	[tilespmem:$0x10F00] =	vst v63  }
0x40: {  	s1 =	rddreg [dreg:$0xf]  }
0x41: {  	[hbm4b:s1+s2] =	stream.linear.scatter [tilespmem:s26], [sflag:$0x1], $0x10000, $0x38;
	[tilespmem:$0x10F00] =	vst v63  }
0x42: {  	s0 =	rddreg [dreg:$0x10]  }
0x43: {  	[hbm4b:s0+s2] =	stream.linear.scatter [tilespmem:s28], [sflag:$0x1], $0x10000, $0x38;
	[tilespmem:$0x10F00] =	vst v63  }
0x44: {  	s1 =	rddreg [dreg:$0x11]  }
0x45: {  	[hbm4b:s1+s2] =	stream.linear.scatter [tilespmem:s29], [sflag:$0x1], $0x10000, $0x38;
	[tilespmem:$0x10F00] =	vst v63  }
0x46: {  	s0 =	rddreg [dreg:$0x12]  }
0x47: {  	[hbm4b:s0+s2] =	stream.linear.scatter [tilespmem:s30], [sflag:$0x1], $0x10000, $0x38;
	[tilespmem:$0x10F00] =	vst v63  }
0x48: {  	s1 =	rddreg [dreg:$0x13]  }
0x49: {  	[hbm4b:s1+s2] =	stream.linear.scatter [tilespmem:s2], [sflag:$0x1], $0x10000, $0x38;
	[tilespmem:$0x10F00] =	vst v63  }
0x4a: {  	_ =	swait.ge [sflag:s3], $0x10000  }
0x4b: {  	[sflag:s3] =	ssyncset.done $0x0  }
0x4c: {  	[sflag:s3] =	ssyncadd.s32 $0xFFFF0000  }
0x4d: {  	_ =	swait.ge [sflag:s3], $0x10000  }
0x4e: {  	[sflag:s3] =	ssyncset.done $0x0  }
0x4f: {  	[sflag:s3] =	ssyncadd.s32 $0xFFFF0000  }
0x50: {  	_ =	swait.ge [sflag:s3], $0x10000  }
0x51: {  	[sflag:s3] =	ssyncset.done $0x0  }
0x52: {  	[sflag:s3] =	ssyncadd.s32 $0xFFFF0000  }
0x53: {  	_ =	swait.ge [sflag:s3], $0x10000  }
0x54: {  	[sflag:s3] =	ssyncset.done $0x0  }
0x55: {  	[sflag:s3] =	ssyncadd.s32 $0xFFFF0000  }
0x56: {  	_ =	swait.ge [sflag:s3], $0x10000  }
0x57: {  	[sflag:s3] =	ssyncset.done $0x0  }
0x58: {  	[sflag:s3] =	ssyncadd.s32 $0xFFFF0000  }
0x59: {  	_ =	swait.ge [sflag:s3], $0x10000  }
0x5a: {  	[sflag:s3] =	ssyncset.done $0x0  }
0x5b: {  	[sflag:s3] =	ssyncadd.s32 $0xFFFF0000  }
0x5c: {  	_ =	swait.ge [sflag:s3], $0x10000  }
0x5d: {  	[sflag:s3] =	ssyncset.done $0x0  }
0x5e: {  	[sflag:s3] =	ssyncadd.s32 $0xFFFF0000  }
0x5f: {  	_ =	swait.ge [sflag:s3], $0x10000  }
0x60: {  	[sflag:s3] =	ssyncset.done $0x0  }
0x61: {  	[sflag:s3] =	ssyncadd.s32 $0xFFFF0000  }
0x62: {  	_ =	swait.ge [sflag:s3], $0x10000  }
0x63: {  	[sflag:s3] =	ssyncset.done $0x0  }
0x64: {  	[sflag:s3] =	ssyncadd.s32 $0xFFFF0000  }
0x65: {  	_ =	swait.ge [sflag:s3], $0x10000  }
0x66: {  	[sflag:s3] =	ssyncset.done $0x0  }
0x67: {  	[sflag:s3] =	ssyncadd.s32 $0xFFFF0000  }
0x68: {  	_ =	swait.ge [sflag:s3], $0x10000  }
0x69: {  	[sflag:s3] =	ssyncset.done $0x0  }
0x6a: {  	[sflag:s3] =	ssyncadd.s32 $0xFFFF0000  }
0x6b: {  	_ =	swait.ge [sflag:s3], $0x10000  }
0x6c: {  	[sflag:s3] =	ssyncset.done $0x0  }
0x6d: {  	[sflag:s3] =	ssyncadd.s32 $0xFFFF0000  }
0x6e: {  	_ =	swait.ge [sflag:s3], $0x10000  }
0x6f: {  	[sflag:s3] =	ssyncset.done $0x0  }
0x70: {  	[sflag:s3] =	ssyncadd.s32 $0xFFFF0000  }
0x71: {  	_ =	swait.ge [sflag:s3], $0x10000  }
0x72: {  	[sflag:s3] =	ssyncset.done $0x0  }
0x73: {  	[sflag:s3] =	ssyncadd.s32 $0xFFFF0000  }
0x74: {  	_ =	swait.ge [sflag:s3], $0x10000  }
0x75: {  	[sflag:s3] =	ssyncset.done $0x0  }
0x76: {  	[sflag:s3] =	ssyncadd.s32 $0xFFFF0000  }
0x77: {  	_ =	swait.ge [sflag:s3], $0x10000  }
0x78: {  	[sflag:s3] =	ssyncset.done $0x0  }
0x79: {  	s31 =	simm.s32 $0x2;
	s1 =	rddreg [dreg:$0x14];
	[sflag:s3] =	ssyncadd.s32 $0xFFFF0000  }
0x7a: {  	[tilespmem:s2], [sflag:$0x2] =	stream.linear.gather [hbm4b:s1+s2], $0x10F00, $0x38;
	[tilespmem:$0x10F00] =	vst v63  }
0x7b: {  	_ =	swait.ge [sflag:s31], $0x10F00  }
0x7c: {  	[sflag:s31] =	ssyncset.done $0x0  }
0x7d: {  	s0 =	rddreg [dreg:$0x15];
	[sflag:s31] =	ssyncadd.s32 $0xFFFEF100  }
0x7e: {  	[hbm4b:s0+s2] =	stream.linear.scatter [tilespmem:s24], [sflag:$0x1], $0x10000, $0x38;
	[tilespmem:$0x10F00] =	vst v63  }
0x7f: {  	s1 =	rddreg [dreg:$0x16]  }
0x80: {  	[hbm4b:s1+s2] =	stream.linear.scatter [tilespmem:s23], [sflag:$0x1], $0x10000, $0x38;
	[tilespmem:$0x10F00] =	vst v63  }
0x81: {  	s31 =	rddreg [dreg:$0x17]  }
0x82: {  	[hbm4b:s31+s2] =	stream.linear.scatter [tilespmem:s22], [sflag:$0x1], $0x10000, $0x38;
	[tilespmem:$0x10F00] =	vst v63  }
0x83: {  	s23 =	rddreg [dreg:$0x18]  }
0x84: {  	[hbm4b:s23+s2] =	stream.linear.scatter [tilespmem:s15], [sflag:$0x1], $0x10000, $0x38;
	[tilespmem:$0x10F00] =	vst v63  }
0x85: {  	s24 =	rddreg [dreg:$0x19]  }
0x86: {  	[hbm4b:s24+s2] =	stream.linear.scatter [tilespmem:s16], [sflag:$0x1], $0x10000, $0x38;
	[tilespmem:$0x10F00] =	vst v63  }
0x87: {  	_ = 	snop  }
0x88: {  	[hbm4b:s4+s2] =	stream.linear.scatter [tilespmem:s17], [sflag:$0x1], $0x10000, $0x38;
	[tilespmem:$0x10F00] =	vst v63  }
0x89: {  	_ = 	snop  }
0x8a: {  	[hbm4b:s18+s2] =	stream.linear.scatter [tilespmem:s5], [sflag:$0x1], $0x10000, $0x38;
	[tilespmem:$0x10F00] =	vst v63  }
0x8b: {  	_ = 	snop  }
0x8c: {  	[hbm4b:s6+s2] =	stream.linear.scatter [tilespmem:s19], [sflag:$0x1], $0x10000, $0x38;
	[tilespmem:$0x10F00] =	vst v63  }
0x8d: {  	_ = 	snop  }
0x8e: {  	[hbm4b:s7+s2] =	stream.linear.scatter [tilespmem:s20], [sflag:$0x1], $0x10000, $0x38;
	[tilespmem:$0x10F00] =	vst v63  }
0x8f: {  	_ = 	snop  }
0x90: {  	[hbm4b:s8+s2] =	stream.linear.scatter [tilespmem:s21], [sflag:$0x1], $0x10000, $0x38;
	[tilespmem:$0x10F00] =	vst v63  }
0x91: {  	_ = 	snop  }
0x92: {  	[hbm4b:s9+s2] =	stream.linear.scatter [tilespmem:s25], [sflag:$0x1], $0x10000, $0x38;
	[tilespmem:$0x10F00] =	vst v63  }
0x93: {  	_ = 	snop  }
0x94: {  	[hbm4b:s10+s2] =	stream.linear.scatter [tilespmem:s26], [sflag:$0x1], $0x10000, $0x38;
	[tilespmem:$0x10F00] =	vst v63  }
0x95: {  	_ = 	snop  }
0x96: {  	[hbm4b:s11+s2] =	stream.linear.scatter [tilespmem:s28], [sflag:$0x1], $0x10000, $0x38;
	[tilespmem:$0x10F00] =	vst v63  }
0x97: {  	_ = 	snop  }
0x98: {  	[hbm4b:s12+s2] =	stream.linear.scatter [tilespmem:s29], [sflag:$0x1], $0x10000, $0x38;
	[tilespmem:$0x10F00] =	vst v63  }
0x99: {  	_ = 	snop  }
0x9a: {  	[hbm4b:s13+s2] =	stream.linear.scatter [tilespmem:s30], [sflag:$0x1], $0x10000, $0x38;
	[tilespmem:$0x10F00] =	vst v63  }
0x9b: {  	_ = 	snop  }
0x9c: {  	[hbm4b:s14+s2] =	stream.linear.scatter [tilespmem:s2], [sflag:$0x1], $0x10000, $0x38;
	[tilespmem:$0x10F00] =	vst v63  }
0x9d: {  	_ =	swait.ge [sflag:s3], $0x10000  }
0x9e: {  	[sflag:s3] =	ssyncset.done $0x0  }
0x9f: {  	[sflag:s3] =	ssyncadd.s32 $0xFFFF0000  }
0xa0: {  	_ =	swait.ge [sflag:s3], $0x10000  }
0xa1: {  	[sflag:s3] =	ssyncset.done $0x0  }
0xa2: {  	[sflag:s3] =	ssyncadd.s32 $0xFFFF0000  }
0xa3: {  	_ =	swait.ge [sflag:s3], $0x10000  }
0xa4: {  	[sflag:s3] =	ssyncset.done $0x0  }
0xa5: {  	[sflag:s3] =	ssyncadd.s32 $0xFFFF0000  }
0xa6: {  	_ =	swait.ge [sflag:s3], $0x10000  }
0xa7: {  	[sflag:s3] =	ssyncset.done $0x0  }
0xa8: {  	[sflag:s3] =	ssyncadd.s32 $0xFFFF0000  }
0xa9: {  	_ =	swait.ge [sflag:s3], $0x10000  }
0xaa: {  	[sflag:s3] =	ssyncset.done $0x0  }
0xab: {  	[sflag:s3] =	ssyncadd.s32 $0xFFFF0000  }
0xac: {  	_ =	swait.ge [sflag:s3], $0x10000  }
0xad: {  	[sflag:s3] =	ssyncset.done $0x0  }
0xae: {  	[sflag:s3] =	ssyncadd.s32 $0xFFFF0000  }
0xaf: {  	_ =	swait.ge [sflag:s3], $0x10000  }
0xb0: {  	[sflag:s3] =	ssyncset.done $0x0  }
0xb1: {  	[sflag:s3] =	ssyncadd.s32 $0xFFFF0000  }
0xb2: {  	_ =	swait.ge [sflag:s3], $0x10000  }
0xb3: {  	[sflag:s3] =	ssyncset.done $0x0  }
0xb4: {  	[sflag:s3] =	ssyncadd.s32 $0xFFFF0000  }
0xb5: {  	_ =	swait.ge [sflag:s3], $0x10000  }
0xb6: {  	[sflag:s3] =	ssyncset.done $0x0  }
0xb7: {  	[sflag:s3] =	ssyncadd.s32 $0xFFFF0000  }
0xb8: {  	_ =	swait.ge [sflag:s3], $0x10000  }
0xb9: {  	[sflag:s3] =	ssyncset.done $0x0  }
0xba: {  	[sflag:s3] =	ssyncadd.s32 $0xFFFF0000  }
0xbb: {  	_ =	swait.ge [sflag:s3], $0x10000  }
0xbc: {  	[sflag:s3] =	ssyncset.done $0x0  }
0xbd: {  	[sflag:s3] =	ssyncadd.s32 $0xFFFF0000  }
0xbe: {  	_ =	swait.ge [sflag:s3], $0x10000  }
0xbf: {  	[sflag:s3] =	ssyncset.done $0x0  }
0xc0: {  	[sflag:s3] =	ssyncadd.s32 $0xFFFF0000  }
0xc1: {  	_ =	swait.ge [sflag:s3], $0x10000  }
0xc2: {  	[sflag:s3] =	ssyncset.done $0x0  }
0xc3: {  	[sflag:s3] =	ssyncadd.s32 $0xFFFF0000  }
0xc4: {  	_ =	swait.ge [sflag:s3], $0x10000  }
0xc5: {  	[sflag:s3] =	ssyncset.done $0x0  }
0xc6: {  	[sflag:s3] =	ssyncadd.s32 $0xFFFF0000  }
0xc7: {  	_ =	swait.ge [sflag:s3], $0x10000  }
0xc8: {  	s31 =	rddreg [dreg:$0x1a]  }
0xc9: {  	p1 =	sne.s32 s31, $0x1  }
.Ltmp1:
0xca: {  	_ = 	snop;
	(pc) =	sbr.rel @!p1 .LBB2_6-.Ltmp1, $4  }
0xcb: {  	[sflag:s3] =	ssyncset.done $0x0  }
0xcc: {  	[sflag:s3] =	ssyncadd.s32 $0xFFFF0000  }
0xcd: {  	p0 =	por $0x1, $0x1;
	_ =	swait.ge [sflag:s3], $0x10000  }
0xce: {  	s1 =	sadd.s32 $0xFFFFFFFF, s31;
	s0 =	rddreg [dreg:$0x3];
	[sflag:s3] =	ssyncset.done $0x0  }
0xcf: {  	s26 =	simm.s32 $0xF00  }
0xd0: {  	s25 =	simm.s32 $0xE00;
	s24 =	simm.s32 $0xD00;
	s16 =	simm.s32 $0xC00  }
0xd1: {  	s19 =	simm.s32 $0xA00;
	s20 =	simm.s32 $0x900;
	s21 =	simm.s32 $0x800  }
0xd2: {  	s22 =	simm.s32 $0x700;
	s23 =	simm.s32 $0x600;
	s28 =	simm.s32 $0x500  }
0xd3: {  	s29 =	simm.s32 $0x400;
	s30 =	simm.s32 $0x300;
	s31 =	simm.s32 $0x100  }
.LBB2_3:
0xd4: {  	[sflag:s3] =	ssyncadd.s32 $0xFFFF0000;
	s5 =	simm.s32 $0x2  }
0xd5: {  	[tilespmem:s2], [sflag:$0x2] =	stream.linear.gather [hbm4b:s0+s2], $0x10F00, $0x38;
	[tilespmem:$0x10F00] =	vst v63  }
0xd6: {  	_ =	swait.ge [sflag:s5], $0x10F00  }
0xd7: {  	[sflag:s5] =	ssyncset.done $0x0  }
0xd8: {  	s15 =	smov.u32 s14;
	s0 =	rddreg [dreg:$0x4];
	[sflag:s5] =	ssyncadd.s32 $0xFFFEF100  }
0xd9: {  	[hbm4b:s0+s2] =	stream.linear.scatter [tilespmem:s26], [sflag:$0x1], $0x10000, $0x38;
	[tilespmem:$0x10F00] =	vst v63  }
0xda: {  	s14 =	smov.u32 s13;
	s13 =	smov.u32 s12;
	s17 =	rddreg [dreg:$0x5]  }
0xdb: {  	[hbm4b:s17+s2] =	stream.linear.scatter [tilespmem:s25], [sflag:$0x1], $0x10000, $0x38;
	[tilespmem:$0x10F00] =	vst v63  }
0xdc: {  	s12 =	smov.u32 s11;
	s11 =	smov.u32 s10;
	s0 =	rddreg [dreg:$0x6]  }
0xdd: {  	[hbm4b:s0+s2] =	stream.linear.scatter [tilespmem:s24], [sflag:$0x1], $0x10000, $0x38;
	[tilespmem:$0x10F00] =	vst v63  }
0xde: {  	s10 =	smov.u32 s9;
	s9 =	smov.u32 s8;
	s17 =	rddreg [dreg:$0x7]  }
0xdf: {  	[hbm4b:s17+s2] =	stream.linear.scatter [tilespmem:s16], [sflag:$0x1], $0x10000, $0x38;
	[tilespmem:$0x10F00] =	vst v63  }
0xe0: {  	s8 =	smov.u32 s7;
	s0 =	rddreg [dreg:$0x8];
	s17 =	simm.s32 $0xB00  }
0xe1: {  	[hbm4b:s0+s2] =	stream.linear.scatter [tilespmem:s17], [sflag:$0x1], $0x10000, $0x38;
	[tilespmem:$0x10F00] =	vst v63  }
0xe2: {  	s7 =	smov.u32 s6;
	s6 =	smov.u32 s4;
	s4 =	rddreg [dreg:$0x9]  }
0xe3: {  	[hbm4b:s4+s2] =	stream.linear.scatter [tilespmem:s19], [sflag:$0x1], $0x10000, $0x38;
	[tilespmem:$0x10F00] =	vst v63  }
0xe4: {  	s17 =	rddreg [dreg:$0xa]  }
0xe5: {  	[hbm4b:s17+s2] =	stream.linear.scatter [tilespmem:s20], [sflag:$0x1], $0x10000, $0x38;
	[tilespmem:$0x10F00] =	vst v63  }
0xe6: {  	s4 =	rddreg [dreg:$0xb]  }
0xe7: {  	[hbm4b:s4+s2] =	stream.linear.scatter [tilespmem:s21], [sflag:$0x1], $0x10000, $0x38;
	[tilespmem:$0x10F00] =	vst v63  }
0xe8: {  	s17 =	rddreg [dreg:$0xc]  }
0xe9: {  	[hbm4b:s17+s2] =	stream.linear.scatter [tilespmem:s22], [sflag:$0x1], $0x10000, $0x38;
	[tilespmem:$0x10F00] =	vst v63  }
0xea: {  	s4 =	rddreg [dreg:$0xd]  }
0xeb: {  	[hbm4b:s4+s2] =	stream.linear.scatter [tilespmem:s23], [sflag:$0x1], $0x10000, $0x38;
	[tilespmem:$0x10F00] =	vst v63  }
0xec: {  	s17 =	rddreg [dreg:$0xe]  }
0xed: {  	[hbm4b:s17+s2] =	stream.linear.scatter [tilespmem:s28], [sflag:$0x1], $0x10000, $0x38;
	[tilespmem:$0x10F00] =	vst v63  }
0xee: {  	s4 =	rddreg [dreg:$0xf]  }
0xef: {  	[hbm4b:s4+s2] =	stream.linear.scatter [tilespmem:s29], [sflag:$0x1], $0x10000, $0x38;
	[tilespmem:$0x10F00] =	vst v63  }
0xf0: {  	s17 =	rddreg [dreg:$0x10]  }
0xf1: {  	[hbm4b:s17+s2] =	stream.linear.scatter [tilespmem:s30], [sflag:$0x1], $0x10000, $0x38;
	[tilespmem:$0x10F00] =	vst v63  }
0xf2: {  	s4 =	rddreg [dreg:$0x11];
	s17 =	simm.s32 $0x200  }
0xf3: {  	[hbm4b:s4+s2] =	stream.linear.scatter [tilespmem:s17], [sflag:$0x1], $0x10000, $0x38;
	[tilespmem:$0x10F00] =	vst v63  }
0xf4: {  	s0 =	rddreg [dreg:$0x12]  }
0xf5: {  	[hbm4b:s0+s2] =	stream.linear.scatter [tilespmem:s31], [sflag:$0x1], $0x10000, $0x38;
	[tilespmem:$0x10F00] =	vst v63  }
0xf6: {  	s4 =	rddreg [dreg:$0x13]  }
0xf7: {  	[hbm4b:s4+s2] =	stream.linear.scatter [tilespmem:s2], [sflag:$0x1], $0x10000, $0x38;
	[tilespmem:$0x10F00] =	vst v63  }
0xf8: {  	_ =	swait.ge [sflag:s3], $0x10000  }
0xf9: {  	[sflag:s3] =	ssyncset.done $0x0  }
0xfa: {  	[sflag:s3] =	ssyncadd.s32 $0xFFFF0000  }
0xfb: {  	_ =	swait.ge [sflag:s3], $0x10000  }
0xfc: {  	[sflag:s3] =	ssyncset.done $0x0  }
0xfd: {  	[sflag:s3] =	ssyncadd.s32 $0xFFFF0000  }
0xfe: {  	_ =	swait.ge [sflag:s3], $0x10000  }
0xff: {  	[sflag:s3] =	ssyncset.done $0x0  }
0x100: {  	[sflag:s3] =	ssyncadd.s32 $0xFFFF0000  }
0x101: {  	_ =	swait.ge [sflag:s3], $0x10000  }
0x102: {  	[sflag:s3] =	ssyncset.done $0x0  }
0x103: {  	[sflag:s3] =	ssyncadd.s32 $0xFFFF0000  }
0x104: {  	_ =	swait.ge [sflag:s3], $0x10000  }
0x105: {  	[sflag:s3] =	ssyncset.done $0x0  }
0x106: {  	[sflag:s3] =	ssyncadd.s32 $0xFFFF0000  }
0x107: {  	_ =	swait.ge [sflag:s3], $0x10000  }
0x108: {  	[sflag:s3] =	ssyncset.done $0x0  }
0x109: {  	[sflag:s3] =	ssyncadd.s32 $0xFFFF0000  }
0x10a: {  	_ =	swait.ge [sflag:s3], $0x10000  }
0x10b: {  	[sflag:s3] =	ssyncset.done $0x0  }
0x10c: {  	[sflag:s3] =	ssyncadd.s32 $0xFFFF0000  }
0x10d: {  	_ =	swait.ge [sflag:s3], $0x10000  }
0x10e: {  	[sflag:s3] =	ssyncset.done $0x0  }
0x10f: {  	[sflag:s3] =	ssyncadd.s32 $0xFFFF0000  }
0x110: {  	_ =	swait.ge [sflag:s3], $0x10000  }
0x111: {  	[sflag:s3] =	ssyncset.done $0x0  }
0x112: {  	[sflag:s3] =	ssyncadd.s32 $0xFFFF0000  }
0x113: {  	_ =	swait.ge [sflag:s3], $0x10000  }
0x114: {  	[sflag:s3] =	ssyncset.done $0x0  }
0x115: {  	[sflag:s3] =	ssyncadd.s32 $0xFFFF0000  }
0x116: {  	_ =	swait.ge [sflag:s3], $0x10000  }
0x117: {  	[sflag:s3] =	ssyncset.done $0x0  }
0x118: {  	[sflag:s3] =	ssyncadd.s32 $0xFFFF0000  }
0x119: {  	_ =	swait.ge [sflag:s3], $0x10000  }
0x11a: {  	[sflag:s3] =	ssyncset.done $0x0  }
0x11b: {  	[sflag:s3] =	ssyncadd.s32 $0xFFFF0000  }
0x11c: {  	_ =	swait.ge [sflag:s3], $0x10000  }
0x11d: {  	[sflag:s3] =	ssyncset.done $0x0  }
0x11e: {  	[sflag:s3] =	ssyncadd.s32 $0xFFFF0000  }
0x11f: {  	_ =	swait.ge [sflag:s3], $0x10000  }
0x120: {  	[sflag:s3] =	ssyncset.done $0x0  }
0x121: {  	[sflag:s3] =	ssyncadd.s32 $0xFFFF0000  }
0x122: {  	_ =	swait.ge [sflag:s3], $0x10000  }
0x123: {  	[sflag:s3] =	ssyncset.done $0x0  }
0x124: {  	[sflag:s3] =	ssyncadd.s32 $0xFFFF0000  }
0x125: {  	_ =	swait.ge [sflag:s3], $0x10000  }
0x126: {  	[sflag:s3] =	ssyncset.done $0x0  }
0x127: {  	s4 =	rddreg [dreg:$0x14];
	[sflag:s3] =	ssyncadd.s32 $0xFFFF0000  }
0x128: {  	[tilespmem:s2], [sflag:$0x2] =	stream.linear.gather [hbm4b:s4+s2], $0x10F00, $0x38;
	[tilespmem:$0x10F00] =	vst v63  }
0x129: {  	_ =	swait.ge [sflag:s5], $0x10F00  }
0x12a: {  	[sflag:s5] =	ssyncset.done $0x0  }
0x12b: {  	s4 =	rddreg [dreg:$0x15];
	[sflag:s5] =	ssyncadd.s32 $0xFFFEF100  }
0x12c: {  	[hbm4b:s4+s2] =	stream.linear.scatter [tilespmem:s26], [sflag:$0x1], $0x10000, $0x38;
	[tilespmem:$0x10F00] =	vst v63  }
0x12d: {  	s5 =	rddreg [dreg:$0x16]  }
0x12e: {  	[hbm4b:s5+s2] =	stream.linear.scatter [tilespmem:s25], [sflag:$0x1], $0x10000, $0x38;
	[tilespmem:$0x10F00] =	vst v63  }
0x12f: {  	s0 =	rddreg [dreg:$0x17]  }
0x130: {  	[hbm4b:s0+s2] =	stream.linear.scatter [tilespmem:s24], [sflag:$0x1], $0x10000, $0x38;
	[tilespmem:$0x10F00] =	vst v63  }
0x131: {  	s5 =	rddreg [dreg:$0x18]  }
0x132: {  	[hbm4b:s5+s2] =	stream.linear.scatter [tilespmem:s16], [sflag:$0x1], $0x10000, $0x38;
	[tilespmem:$0x10F00] =	vst v63  }
0x133: {  	s0 =	rddreg [dreg:$0x19];
	s5 =	simm.s32 $0xB00  }
0x134: {  	[hbm4b:s0+s2] =	stream.linear.scatter [tilespmem:s5], [sflag:$0x1], $0x10000, $0x38;
	[tilespmem:$0x10F00] =	vst v63  }
0x135: {  	s4 =	smov.u32 s6  }
0x136: {  	[hbm4b:s4+s2] =	stream.linear.scatter [tilespmem:s19], [sflag:$0x1], $0x10000, $0x38;
	[tilespmem:$0x10F00] =	vst v63  }
0x137: {  	_ = 	snop  }
0x138: {  	[hbm4b:s18+s2] =	stream.linear.scatter [tilespmem:s20], [sflag:$0x1], $0x10000, $0x38;
	[tilespmem:$0x10F00] =	vst v63  }
0x139: {  	s6 =	smov.u32 s7  }
0x13a: {  	[hbm4b:s6+s2] =	stream.linear.scatter [tilespmem:s21], [sflag:$0x1], $0x10000, $0x38;
	[tilespmem:$0x10F00] =	vst v63  }
0x13b: {  	s7 =	smov.u32 s8  }
0x13c: {  	[hbm4b:s7+s2] =	stream.linear.scatter [tilespmem:s22], [sflag:$0x1], $0x10000, $0x38;
	[tilespmem:$0x10F00] =	vst v63  }
0x13d: {  	s8 =	smov.u32 s9  }
0x13e: {  	[hbm4b:s8+s2] =	stream.linear.scatter [tilespmem:s23], [sflag:$0x1], $0x10000, $0x38;
	[tilespmem:$0x10F00] =	vst v63  }
0x13f: {  	s9 =	smov.u32 s10  }
0x140: {  	[hbm4b:s9+s2] =	stream.linear.scatter [tilespmem:s28], [sflag:$0x1], $0x10000, $0x38;
	[tilespmem:$0x10F00] =	vst v63  }
0x141: {  	s10 =	smov.u32 s11  }
0x142: {  	[hbm4b:s10+s2] =	stream.linear.scatter [tilespmem:s29], [sflag:$0x1], $0x10000, $0x38;
	[tilespmem:$0x10F00] =	vst v63  }
0x143: {  	s11 =	smov.u32 s12  }
0x144: {  	[hbm4b:s11+s2] =	stream.linear.scatter [tilespmem:s30], [sflag:$0x1], $0x10000, $0x38;
	[tilespmem:$0x10F00] =	vst v63  }
0x145: {  	s12 =	smov.u32 s13  }
0x146: {  	[hbm4b:s12+s2] =	stream.linear.scatter [tilespmem:s17], [sflag:$0x1], $0x10000, $0x38;
	[tilespmem:$0x10F00] =	vst v63  }
0x147: {  	s13 =	smov.u32 s14  }
0x148: {  	[hbm4b:s13+s2] =	stream.linear.scatter [tilespmem:s31], [sflag:$0x1], $0x10000, $0x38;
	[tilespmem:$0x10F00] =	vst v63  }
0x149: {  	_ = 	snop  }
0x14a: {  	[hbm4b:s15+s2] =	stream.linear.scatter [tilespmem:s2], [sflag:$0x1], $0x10000, $0x38;
	[tilespmem:$0x10F00] =	vst v63  }
0x14b: {  	_ =	swait.ge [sflag:s3], $0x10000  }
0x14c: {  	[sflag:s3] =	ssyncset.done $0x0  }
0x14d: {  	[sflag:s3] =	ssyncadd.s32 $0xFFFF0000  }
0x14e: {  	_ =	swait.ge [sflag:s3], $0x10000  }
0x14f: {  	[sflag:s3] =	ssyncset.done $0x0  }
0x150: {  	[sflag:s3] =	ssyncadd.s32 $0xFFFF0000  }
0x151: {  	_ =	swait.ge [sflag:s3], $0x10000  }
0x152: {  	[sflag:s3] =	ssyncset.done $0x0  }
0x153: {  	[sflag:s3] =	ssyncadd.s32 $0xFFFF0000  }
0x154: {  	_ =	swait.ge [sflag:s3], $0x10000  }
0x155: {  	[sflag:s3] =	ssyncset.done $0x0  }
0x156: {  	[sflag:s3] =	ssyncadd.s32 $0xFFFF0000  }
0x157: {  	_ =	swait.ge [sflag:s3], $0x10000  }
0x158: {  	[sflag:s3] =	ssyncset.done $0x0  }
0x159: {  	[sflag:s3] =	ssyncadd.s32 $0xFFFF0000  }
0x15a: {  	_ =	swait.ge [sflag:s3], $0x10000  }
0x15b: {  	[sflag:s3] =	ssyncset.done $0x0  }
0x15c: {  	[sflag:s3] =	ssyncadd.s32 $0xFFFF0000  }
0x15d: {  	_ =	swait.ge [sflag:s3], $0x10000  }
0x15e: {  	[sflag:s3] =	ssyncset.done $0x0  }
0x15f: {  	[sflag:s3] =	ssyncadd.s32 $0xFFFF0000  }
0x160: {  	_ =	swait.ge [sflag:s3], $0x10000  }
0x161: {  	[sflag:s3] =	ssyncset.done $0x0  }
0x162: {  	[sflag:s3] =	ssyncadd.s32 $0xFFFF0000  }
0x163: {  	_ =	swait.ge [sflag:s3], $0x10000  }
0x164: {  	[sflag:s3] =	ssyncset.done $0x0  }
0x165: {  	[sflag:s3] =	ssyncadd.s32 $0xFFFF0000  }
0x166: {  	_ =	swait.ge [sflag:s3], $0x10000  }
0x167: {  	[sflag:s3] =	ssyncset.done $0x0  }
0x168: {  	[sflag:s3] =	ssyncadd.s32 $0xFFFF0000  }
0x169: {  	_ =	swait.ge [sflag:s3], $0x10000  }
0x16a: {  	[sflag:s3] =	ssyncset.done $0x0  }
0x16b: {  	[sflag:s3] =	ssyncadd.s32 $0xFFFF0000  }
0x16c: {  	_ =	swait.ge [sflag:s3], $0x10000  }
0x16d: {  	[sflag:s3] =	ssyncset.done $0x0  }
0x16e: {  	[sflag:s3] =	ssyncadd.s32 $0xFFFF0000  }
0x16f: {  	_ =	swait.ge [sflag:s3], $0x10000  }
0x170: {  	[sflag:s3] =	ssyncset.done $0x0  }
0x171: {  	[sflag:s3] =	ssyncadd.s32 $0xFFFF0000  }
0x172: {  	_ =	swait.ge [sflag:s3], $0x10000  }
0x173: {  	[sflag:s3] =	ssyncset.done $0x0  }
0x174: {  	p1 =	sne.s32 s1, $0x1;
	[sflag:s3] =	ssyncadd.s32 $0xFFFF0000  }
.Ltmp2:
0x175: {  	_ =	swait.ge [sflag:s3], $0x10000;
	(pc) =	sbr.rel @p1 .LBB2_3-.Ltmp2, $4  }
0x176: {  	[sflag:s3] =	ssyncset.done $0x0  }
0x177: {  	[sflag:s3] =	ssyncadd.s32 $0xFFFF0000  }
0x178: {  	s1 =	sadd.s32 $0xFFFFFFFF, s1;
	_ =	swait.ge [sflag:s3], $0x10000  }
0x179: {  	s14 =	smov.u32 s15;
	s0 =	rddreg [dreg:$0x3];
	[sflag:s3] =	ssyncset.done $0x0  }
0x17a: {  	s15 =	simm.s32 $0xC00  }
0x17b: {  	s16 =	simm.s32 $0xB00;
	s17 =	simm.s32 $0xA00;
	s5 =	simm.s32 $0x900  }
0x17c: {  	s19 =	simm.s32 $0x800;
	s20 =	simm.s32 $0x700;
	s21 =	simm.s32 $0x600  }
0x17d: {  	s22 =	simm.s32 $0xD00;
	s23 =	simm.s32 $0xE00;
	s24 =	simm.s32 $0xF00  }
0x17e: {  	s25 =	simm.s32 $0x500;
	s26 =	simm.s32 $0x400;
	s28 =	simm.s32 $0x300  }
0x17f: {  	s29 =	simm.s32 $0x200;
	s30 =	simm.s32 $0x100;
	s1 =	simm.s32 $0x2  }
.LBB2_5:
0x180: {  	[sflag:s3] =	ssyncadd.s32 @p0 $0xFFFF0000  }
0x181: {  	[tilespmem:s2], [sflag:$0x2] =	stream.linear.gather [hbm4b:s0+s2], $0x10F00, $0x38;
	[tilespmem:$0x10F00] =	vst v63  }
0x182: {  	_ =	swait.ge [sflag:s1], $0x10F00  }
0x183: {  	[sflag:s1] =	ssyncset.done $0x0  }
0x184: {  	s0 =	rddreg [dreg:$0x4];
	[sflag:s1] =	ssyncadd.s32 $0xFFFEF100  }
0x185: {  	[hbm4b:s0+s2] =	stream.linear.scatter [tilespmem:s24], [sflag:$0x1], $0x10000, $0x38;
	[tilespmem:$0x10F00] =	vst v63  }
0x186: {  	s1 =	rddreg [dreg:$0x5]  }
0x187: {  	[hbm4b:s1+s2] =	stream.linear.scatter [tilespmem:s23], [sflag:$0x1], $0x10000, $0x38;
	[tilespmem:$0x10F00] =	vst v63  }
0x188: {  	s0 =	rddreg [dreg:$0x6]  }
0x189: {  	[hbm4b:s0+s2] =	stream.linear.scatter [tilespmem:s22], [sflag:$0x1], $0x10000, $0x38;
	[tilespmem:$0x10F00] =	vst v63  }
0x18a: {  	s1 =	rddreg [dreg:$0x7]  }
0x18b: {  	[hbm4b:s1+s2] =	stream.linear.scatter [tilespmem:s15], [sflag:$0x1], $0x10000, $0x38;
	[tilespmem:$0x10F00] =	vst v63  }
0x18c: {  	s0 =	rddreg [dreg:$0x8]  }
0x18d: {  	[hbm4b:s0+s2] =	stream.linear.scatter [tilespmem:s16], [sflag:$0x1], $0x10000, $0x38;
	[tilespmem:$0x10F00] =	vst v63  }
0x18e: {  	s1 =	rddreg [dreg:$0x9]  }
0x18f: {  	[hbm4b:s1+s2] =	stream.linear.scatter [tilespmem:s17], [sflag:$0x1], $0x10000, $0x38;
	[tilespmem:$0x10F00] =	vst v63  }
0x190: {  	s0 =	rddreg [dreg:$0xa]  }
0x191: {  	[hbm4b:s0+s2] =	stream.linear.scatter [tilespmem:s5], [sflag:$0x1], $0x10000, $0x38;
	[tilespmem:$0x10F00] =	vst v63  }
0x192: {  	s1 =	rddreg [dreg:$0xb]  }
0x193: {  	[hbm4b:s1+s2] =	stream.linear.scatter [tilespmem:s19], [sflag:$0x1], $0x10000, $0x38;
	[tilespmem:$0x10F00] =	vst v63  }
0x194: {  	s0 =	rddreg [dreg:$0xc]  }
0x195: {  	[hbm4b:s0+s2] =	stream.linear.scatter [tilespmem:s20], [sflag:$0x1], $0x10000, $0x38;
	[tilespmem:$0x10F00] =	vst v63  }
0x196: {  	s1 =	rddreg [dreg:$0xd]  }
0x197: {  	[hbm4b:s1+s2] =	stream.linear.scatter [tilespmem:s21], [sflag:$0x1], $0x10000, $0x38;
	[tilespmem:$0x10F00] =	vst v63  }
0x198: {  	s0 =	rddreg [dreg:$0xe]  }
0x199: {  	[hbm4b:s0+s2] =	stream.linear.scatter [tilespmem:s25], [sflag:$0x1], $0x10000, $0x38;
	[tilespmem:$0x10F00] =	vst v63  }
0x19a: {  	s1 =	rddreg [dreg:$0xf]  }
0x19b: {  	[hbm4b:s1+s2] =	stream.linear.scatter [tilespmem:s26], [sflag:$0x1], $0x10000, $0x38;
	[tilespmem:$0x10F00] =	vst v63  }
0x19c: {  	s0 =	rddreg [dreg:$0x10]  }
0x19d: {  	[hbm4b:s0+s2] =	stream.linear.scatter [tilespmem:s28], [sflag:$0x1], $0x10000, $0x38;
	[tilespmem:$0x10F00] =	vst v63  }
0x19e: {  	s1 =	rddreg [dreg:$0x11]  }
0x19f: {  	[hbm4b:s1+s2] =	stream.linear.scatter [tilespmem:s29], [sflag:$0x1], $0x10000, $0x38;
	[tilespmem:$0x10F00] =	vst v63  }
0x1a0: {  	s0 =	rddreg [dreg:$0x12]  }
0x1a1: {  	[hbm4b:s0+s2] =	stream.linear.scatter [tilespmem:s30], [sflag:$0x1], $0x10000, $0x38;
	[tilespmem:$0x10F00] =	vst v63  }
0x1a2: {  	s1 =	rddreg [dreg:$0x13]  }
0x1a3: {  	[hbm4b:s1+s2] =	stream.linear.scatter [tilespmem:s2], [sflag:$0x1], $0x10000, $0x38;
	[tilespmem:$0x10F00] =	vst v63  }
0x1a4: {  	_ =	swait.ge [sflag:s3], $0x10000  }
0x1a5: {  	[sflag:s3] =	ssyncset.done $0x0  }
0x1a6: {  	[sflag:s3] =	ssyncadd.s32 $0xFFFF0000  }
0x1a7: {  	_ =	swait.ge [sflag:s3], $0x10000  }
0x1a8: {  	[sflag:s3] =	ssyncset.done $0x0  }
0x1a9: {  	[sflag:s3] =	ssyncadd.s32 $0xFFFF0000  }
0x1aa: {  	_ =	swait.ge [sflag:s3], $0x10000  }
0x1ab: {  	[sflag:s3] =	ssyncset.done $0x0  }
0x1ac: {  	[sflag:s3] =	ssyncadd.s32 $0xFFFF0000  }
0x1ad: {  	_ =	swait.ge [sflag:s3], $0x10000  }
0x1ae: {  	[sflag:s3] =	ssyncset.done $0x0  }
0x1af: {  	[sflag:s3] =	ssyncadd.s32 $0xFFFF0000  }
0x1b0: {  	_ =	swait.ge [sflag:s3], $0x10000  }
0x1b1: {  	[sflag:s3] =	ssyncset.done $0x0  }
0x1b2: {  	[sflag:s3] =	ssyncadd.s32 $0xFFFF0000  }
0x1b3: {  	_ =	swait.ge [sflag:s3], $0x10000  }
0x1b4: {  	[sflag:s3] =	ssyncset.done $0x0  }
0x1b5: {  	[sflag:s3] =	ssyncadd.s32 $0xFFFF0000  }
0x1b6: {  	_ =	swait.ge [sflag:s3], $0x10000  }
0x1b7: {  	[sflag:s3] =	ssyncset.done $0x0  }
0x1b8: {  	[sflag:s3] =	ssyncadd.s32 $0xFFFF0000  }
0x1b9: {  	_ =	swait.ge [sflag:s3], $0x10000  }
0x1ba: {  	[sflag:s3] =	ssyncset.done $0x0  }
0x1bb: {  	[sflag:s3] =	ssyncadd.s32 $0xFFFF0000  }
0x1bc: {  	_ =	swait.ge [sflag:s3], $0x10000  }
0x1bd: {  	[sflag:s3] =	ssyncset.done $0x0  }
0x1be: {  	[sflag:s3] =	ssyncadd.s32 $0xFFFF0000  }
0x1bf: {  	_ =	swait.ge [sflag:s3], $0x10000  }
0x1c0: {  	[sflag:s3] =	ssyncset.done $0x0  }
0x1c1: {  	[sflag:s3] =	ssyncadd.s32 $0xFFFF0000  }
0x1c2: {  	_ =	swait.ge [sflag:s3], $0x10000  }
0x1c3: {  	[sflag:s3] =	ssyncset.done $0x0  }
0x1c4: {  	[sflag:s3] =	ssyncadd.s32 $0xFFFF0000  }
0x1c5: {  	_ =	swait.ge [sflag:s3], $0x10000  }
0x1c6: {  	[sflag:s3] =	ssyncset.done $0x0  }
0x1c7: {  	[sflag:s3] =	ssyncadd.s32 $0xFFFF0000  }
0x1c8: {  	_ =	swait.ge [sflag:s3], $0x10000  }
0x1c9: {  	[sflag:s3] =	ssyncset.done $0x0  }
0x1ca: {  	[sflag:s3] =	ssyncadd.s32 $0xFFFF0000  }
0x1cb: {  	_ =	swait.ge [sflag:s3], $0x10000  }
0x1cc: {  	[sflag:s3] =	ssyncset.done $0x0  }
0x1cd: {  	[sflag:s3] =	ssyncadd.s32 $0xFFFF0000  }
0x1ce: {  	_ =	swait.ge [sflag:s3], $0x10000  }
0x1cf: {  	[sflag:s3] =	ssyncset.done $0x0  }
0x1d0: {  	[sflag:s3] =	ssyncadd.s32 $0xFFFF0000  }
0x1d1: {  	_ =	swait.ge [sflag:s3], $0x10000  }
0x1d2: {  	[sflag:s3] =	ssyncset.done $0x0  }
0x1d3: {  	s31 =	simm.s32 $0x2;
	s1 =	rddreg [dreg:$0x14];
	[sflag:s3] =	ssyncadd.s32 $0xFFFF0000  }
0x1d4: {  	[tilespmem:s2], [sflag:$0x2] =	stream.linear.gather [hbm4b:s1+s2], $0x10F00, $0x38;
	[tilespmem:$0x10F00] =	vst v63  }
0x1d5: {  	_ =	swait.ge [sflag:s31], $0x10F00  }
0x1d6: {  	[sflag:s31] =	ssyncset.done $0x0  }
0x1d7: {  	s0 =	rddreg [dreg:$0x15];
	[sflag:s31] =	ssyncadd.s32 $0xFFFEF100  }
0x1d8: {  	[hbm4b:s0+s2] =	stream.linear.scatter [tilespmem:s24], [sflag:$0x1], $0x10000, $0x38;
	[tilespmem:$0x10F00] =	vst v63  }
0x1d9: {  	s1 =	rddreg [dreg:$0x16]  }
0x1da: {  	[hbm4b:s1+s2] =	stream.linear.scatter [tilespmem:s23], [sflag:$0x1], $0x10000, $0x38;
	[tilespmem:$0x10F00] =	vst v63  }
0x1db: {  	s31 =	rddreg [dreg:$0x17]  }
0x1dc: {  	[hbm4b:s31+s2] =	stream.linear.scatter [tilespmem:s22], [sflag:$0x1], $0x10000, $0x38;
	[tilespmem:$0x10F00] =	vst v63  }
0x1dd: {  	s23 =	rddreg [dreg:$0x18]  }
0x1de: {  	[hbm4b:s23+s2] =	stream.linear.scatter [tilespmem:s15], [sflag:$0x1], $0x10000, $0x38;
	[tilespmem:$0x10F00] =	vst v63  }
0x1df: {  	s24 =	rddreg [dreg:$0x19]  }
0x1e0: {  	[hbm4b:s24+s2] =	stream.linear.scatter [tilespmem:s16], [sflag:$0x1], $0x10000, $0x38;
	[tilespmem:$0x10F00] =	vst v63  }
0x1e1: {  	_ = 	snop  }
0x1e2: {  	[hbm4b:s4+s2] =	stream.linear.scatter [tilespmem:s17], [sflag:$0x1], $0x10000, $0x38;
	[tilespmem:$0x10F00] =	vst v63  }
0x1e3: {  	_ = 	snop  }
0x1e4: {  	[hbm4b:s18+s2] =	stream.linear.scatter [tilespmem:s5], [sflag:$0x1], $0x10000, $0x38;
	[tilespmem:$0x10F00] =	vst v63  }
0x1e5: {  	_ = 	snop  }
0x1e6: {  	[hbm4b:s6+s2] =	stream.linear.scatter [tilespmem:s19], [sflag:$0x1], $0x10000, $0x38;
	[tilespmem:$0x10F00] =	vst v63  }
0x1e7: {  	_ = 	snop  }
0x1e8: {  	[hbm4b:s7+s2] =	stream.linear.scatter [tilespmem:s20], [sflag:$0x1], $0x10000, $0x38;
	[tilespmem:$0x10F00] =	vst v63  }
0x1e9: {  	_ = 	snop  }
0x1ea: {  	[hbm4b:s8+s2] =	stream.linear.scatter [tilespmem:s21], [sflag:$0x1], $0x10000, $0x38;
	[tilespmem:$0x10F00] =	vst v63  }
0x1eb: {  	_ = 	snop  }
0x1ec: {  	[hbm4b:s9+s2] =	stream.linear.scatter [tilespmem:s25], [sflag:$0x1], $0x10000, $0x38;
	[tilespmem:$0x10F00] =	vst v63  }
0x1ed: {  	_ = 	snop  }
0x1ee: {  	[hbm4b:s10+s2] =	stream.linear.scatter [tilespmem:s26], [sflag:$0x1], $0x10000, $0x38;
	[tilespmem:$0x10F00] =	vst v63  }
0x1ef: {  	_ = 	snop  }
0x1f0: {  	[hbm4b:s11+s2] =	stream.linear.scatter [tilespmem:s28], [sflag:$0x1], $0x10000, $0x38;
	[tilespmem:$0x10F00] =	vst v63  }
0x1f1: {  	_ = 	snop  }
0x1f2: {  	[hbm4b:s12+s2] =	stream.linear.scatter [tilespmem:s29], [sflag:$0x1], $0x10000, $0x38;
	[tilespmem:$0x10F00] =	vst v63  }
0x1f3: {  	_ = 	snop  }
0x1f4: {  	[hbm4b:s13+s2] =	stream.linear.scatter [tilespmem:s30], [sflag:$0x1], $0x10000, $0x38;
	[tilespmem:$0x10F00] =	vst v63  }
0x1f5: {  	_ = 	snop  }
0x1f6: {  	[hbm4b:s14+s2] =	stream.linear.scatter [tilespmem:s2], [sflag:$0x1], $0x10000, $0x38;
	[tilespmem:$0x10F00] =	vst v63  }
0x1f7: {  	_ =	swait.ge [sflag:s3], $0x10000  }
0x1f8: {  	[sflag:s3] =	ssyncset.done $0x0  }
0x1f9: {  	[sflag:s3] =	ssyncadd.s32 $0xFFFF0000  }
0x1fa: {  	_ =	swait.ge [sflag:s3], $0x10000  }
0x1fb: {  	[sflag:s3] =	ssyncset.done $0x0  }
0x1fc: {  	[sflag:s3] =	ssyncadd.s32 $0xFFFF0000  }
0x1fd: {  	_ =	swait.ge [sflag:s3], $0x10000  }
0x1fe: {  	[sflag:s3] =	ssyncset.done $0x0  }
0x1ff: {  	[sflag:s3] =	ssyncadd.s32 $0xFFFF0000  }
0x200: {  	_ =	swait.ge [sflag:s3], $0x10000  }
0x201: {  	[sflag:s3] =	ssyncset.done $0x0  }
0x202: {  	[sflag:s3] =	ssyncadd.s32 $0xFFFF0000  }
0x203: {  	_ =	swait.ge [sflag:s3], $0x10000  }
0x204: {  	[sflag:s3] =	ssyncset.done $0x0  }
0x205: {  	[sflag:s3] =	ssyncadd.s32 $0xFFFF0000  }
0x206: {  	_ =	swait.ge [sflag:s3], $0x10000  }
0x207: {  	[sflag:s3] =	ssyncset.done $0x0  }
0x208: {  	[sflag:s3] =	ssyncadd.s32 $0xFFFF0000  }
0x209: {  	_ =	swait.ge [sflag:s3], $0x10000  }
0x20a: {  	[sflag:s3] =	ssyncset.done $0x0  }
0x20b: {  	[sflag:s3] =	ssyncadd.s32 $0xFFFF0000  }
0x20c: {  	_ =	swait.ge [sflag:s3], $0x10000  }
0x20d: {  	[sflag:s3] =	ssyncset.done $0x0  }
0x20e: {  	[sflag:s3] =	ssyncadd.s32 $0xFFFF0000  }
0x20f: {  	_ =	swait.ge [sflag:s3], $0x10000  }
0x210: {  	[sflag:s3] =	ssyncset.done $0x0  }
0x211: {  	[sflag:s3] =	ssyncadd.s32 $0xFFFF0000  }
0x212: {  	_ =	swait.ge [sflag:s3], $0x10000  }
0x213: {  	[sflag:s3] =	ssyncset.done $0x0  }
0x214: {  	[sflag:s3] =	ssyncadd.s32 $0xFFFF0000  }
0x215: {  	_ =	swait.ge [sflag:s3], $0x10000  }
0x216: {  	[sflag:s3] =	ssyncset.done $0x0  }
0x217: {  	[sflag:s3] =	ssyncadd.s32 $0xFFFF0000  }
0x218: {  	_ =	swait.ge [sflag:s3], $0x10000  }
0x219: {  	[sflag:s3] =	ssyncset.done $0x0  }
0x21a: {  	[sflag:s3] =	ssyncadd.s32 $0xFFFF0000  }
0x21b: {  	_ =	swait.ge [sflag:s3], $0x10000  }
0x21c: {  	[sflag:s3] =	ssyncset.done $0x0  }
0x21d: {  	[sflag:s3] =	ssyncadd.s32 $0xFFFF0000  }
0x21e: {  	_ =	swait.ge [sflag:s3], $0x10000  }
0x21f: {  	[sflag:s3] =	ssyncset.done $0x0  }
0x220: {  	[sflag:s3] =	ssyncadd.s32 $0xFFFF0000  }
0x221: {  	_ =	swait.ge [sflag:s3], $0x10000  }
0x222: {  	[sflag:s3] =	ssyncset.done $0x0  }
0x223: {  	[sflag:s3] =	ssyncadd.s32 $0xFFFF0000  }
0x224: {  	_ =	swait.ge [sflag:s3], $0x10000  }
0x225: {  	[sflag:s3] =	ssyncset.done $0x0  }
0x226: {  	[sflag:s3] =	ssyncadd.s32 $0xFFFF0000  }
0x227: {  	_ =	sfence.sel $0x180000  }
0x228: {  	[bflag:$0x0] =	sbarrier.arrive $0xFFFF  }
0x229: {  	_ =	strace $0x90000047  }
0x22a: {  	s31 =	stileid.u32;
	[bflag:$0x2] =	sbarrier.arrive $0xFFFF  }
0x22b: {  	p0 =	sne.s32 s31, $0x0;
	s0 =	rddreg [dreg:$0x2]  }
0x22c: {  	s0 =	sadd.s32 @!p0 $0x100000, s0  }
0x22d: {  	[sflag:s0] =	ssyncadd.tile.s32 @!p0 $0x1;
	_ =	shalt  }
.LBB2_6:
0x22e: {  	s15 =	simm.s32 $0xC00;
	s16 =	simm.s32 $0xB00  }
.Ltmp3:
0x22f: {  	s17 =	simm.s32 $0xA00;
	s5 =	simm.s32 $0x900;
	(pc) =	sbr.rel .LBB2_5-.Ltmp3, $4  }
0x230: {  	s19 =	simm.s32 $0x800;
	s20 =	simm.s32 $0x700;
	s21 =	simm.s32 $0x600  }
0x231: {  	s22 =	simm.s32 $0xD00;
	s23 =	simm.s32 $0xE00;
	s24 =	simm.s32 $0xF00  }
0x232: {  	s25 =	simm.s32 $0x500;
	s26 =	simm.s32 $0x400;
	s28 =	simm.s32 $0x300  }
0x233: {  	s29 =	simm.s32 $0x200;
	s30 =	simm.s32 $0x100;
	s1 =	simm.s32 $0x2  }
.Lfunc_end2:
_tile_overlayer_lowered:
.L_overlay_start_2:
0x234: {  	(tag) =	ssettag $0x2  }
0x235: {  	s0 =	rddreg [dreg:$0x0];
	s2 =	stileid.u32  }
0x236: {  	s1 =	rddreg [dreg:$0x1];
	p0 =	sne.s32 s2, $0x0  }
0x237: {  	s3 =	rddreg [dreg:$0x2];
	[bflag:$0x3] =	sbarrier.arrive $0xFFFF;
	s2 =	simm.s32 @!p0 $0x1C02  }
0x238: {  	[timem:s3], [sflag:s2] =	dma.local @!p0 [hbm:s0], s1  }
0x239: {  	s0 =	simm.s32 @!p0 $0x2  }
0x23a: {  	_ =	swait.ge @!p0 [sflag:s0], s1  }
0x23b: {  	s1 =	ssub.s32 @!p0 $0x0, s1;
	[sflag:s0] =	ssyncset.done @!p0 $0x0  }
0x23c: {  	[sflag:s0] =	ssyncadd.s32 @!p0 s1  }
0x23d: {  	[bflag:$0x3] =	sbarrier.arrive $0xFFFF  }
0x23e: {  	_ =	shalt  }

</sc_bundles>
